<compile_context>
chip_gen: v7x
topology: tpu7x:2x2x1
jax: 0.10.2.dev20260603
libtpu: 0.0.44.dev20260713+nightly
codegen_flags: <defaults>
</compile_context>

<pallas_src>
import functools

import jax
import jax.numpy as jnp
from jax import lax
from jax.experimental import pallas as pl
from jax.experimental.pallas import tpu as pltpu
from jax.experimental.pallas import tpu_sc as plsc

D_MODEL_K = 64
SCALE_K = 8.0

_NC = 2
_NS = 16
_NW = _NC * _NS
_LANES = 16

_B_TOTAL = 4096 * 200
_B_PER_W = _B_TOTAL // _NW
_CHUNK = 400
_N_CHUNKS = _B_PER_W // _CHUNK
_NBUF = 4


def _emb_kernel(table_hbm, idx_hbm, out_hbm, idx_v,
                rb0, rb1, rb2, rb3, sg0, sg1, sg2, sg3,
                sw0, sw1, sw2, sw3):
    bufs = (rb0, rb1, rb2, rb3)
    sgs = (sg0, sg1, sg2, sg3)
    sws = (sw0, sw1, sw2, sw3)
    wid = lax.axis_index("s") * _NC + lax.axis_index("c")
    wbase = wid * _B_PER_W
    pltpu.sync_copy(idx_hbm.at[pl.ds(wbase, _B_PER_W)], idx_v)

    def start_gather(g, b):
        pltpu.async_copy(
            table_hbm.at[idx_v.at[pl.ds(g * _CHUNK, _CHUNK)]], bufs[b], sgs[b])

    def wait_gather(g, b):
        pltpu.make_async_copy(
            table_hbm.at[idx_v.at[pl.ds(g * _CHUNK, _CHUNK)]], bufs[b],
            sgs[b]).wait()

    def start_wb(g, b):
        pltpu.async_copy(
            bufs[b], out_hbm.at[pl.ds(wbase + g * _CHUNK, _CHUNK)], sws[b])

    def wait_wb(g, b):
        pltpu.make_async_copy(
            bufs[b], out_hbm.at[pl.ds(wbase + g * _CHUNK, _CHUNK)],
            sws[b]).wait()

    start_gather(0, 0)
    start_gather(1, 1)

    def quad(q, carry):
        for b in range(_NBUF):
            g = q * _NBUF + b
            bn = (b + 2) % _NBUF

            @pl.when(g >= 2)
            def _():
                wait_wb(g - 2, bn)

            @pl.when(g + 2 < _N_CHUNKS)
            def _():
                start_gather(g + 2, bn)

            wait_gather(g, b)

            @plsc.parallel_loop(0, _CHUNK, unroll=4)
            def _(i):
                for j in range(D_MODEL_K // _LANES):
                    sl = pl.ds(j * _LANES, _LANES)
                    bufs[b][i, sl] = bufs[b][i, sl] * SCALE_K

            start_wb(g, b)
        return carry

    lax.fori_loop(0, _N_CHUNKS // _NBUF, quad, 0)
    wait_wb(_N_CHUNKS - 2, (_N_CHUNKS - 2) % _NBUF)
    wait_wb(_N_CHUNKS - 1, (_N_CHUNKS - 1) % _NBUF)


@jax.jit
def _emb_call(idx_flat, table):
    mesh = plsc.VectorSubcoreMesh(core_axis_name="c", subcore_axis_name="s")
    run = functools.partial(
        pl.kernel,
        mesh=mesh,
        out_type=jax.ShapeDtypeStruct((_B_TOTAL, D_MODEL_K), jnp.float32),
        compiler_params=pltpu.CompilerParams(use_tc_tiling_on_sc=False),
        scratch_types=(
            [pltpu.VMEM((_B_PER_W,), jnp.int32)]
            + [pltpu.VMEM((_CHUNK, D_MODEL_K), jnp.float32)] * _NBUF
            + [pltpu.SemaphoreType.DMA] * (2 * _NBUF)
        ),
    )(_emb_kernel)
    return run(table, idx_flat)


def kernel(x, table):
    idx_flat = x.reshape(-1).astype(jnp.int32)
    out = _emb_call(idx_flat, table)
    return out.reshape(x.shape + (D_MODEL_K,))

# --- scband reference (transcript-rebuilt; emitter-appended) ---
"""Pipeline reference for scband-embeddings-18107582120084 (READ-ONLY COPY).

The authoritative reference and input builder live on the scoring server;
editing this copy changes nothing except your own understanding.
"""

import jax, jax.numpy as jnp
import numpy as np
import math

D_MODEL = 64
VOCAB = 1000000

def setup_inputs(seed: int = 0) -> dict:
    key = jax.random.key(seed)
    k1, k2 = jax.random.split(key)
    x = jax.random.randint(k1, (4096, 200), 0, VOCAB, dtype=jnp.int64 if jax.config.read('jax_enable_x64') else jnp.int32)
    table = jax.random.normal(k2, (VOCAB, D_MODEL), dtype=jnp.float32)
    return {"x": x, "table": table}

def reference(x, table):
    # nn.Embedding lookup followed by scale by sqrt(d_model)
    emb = jnp.take(table, x, axis=0)
    return emb * math.sqrt(D_MODEL)

if __name__ == "__main__":
    import jax
    _d = setup_inputs()
    print(jax.jit(kernel)(*tuple(_d.values())))

</pallas_src>

<mosaic_0001>
#map = affine_map<(d0, d1) -> (0, 0)>
#map1 = affine_map<(d0, d1) -> (0)>
module attributes {stable_mosaic.version = 14 : i64} {
  func.func @_emb_kernel(%arg0: i32, %arg1: i32, %arg2: memref<1000000x64xf32, #tpu.memory_space<hbm>>, %arg3: memref<819200xi32, #tpu.memory_space<hbm>>, %arg4: memref<819200x64xf32, #tpu.memory_space<hbm>>, %arg5: memref<25600xi32, #tpu.memory_space<vmem>>, %arg6: memref<400x64xf32, #tpu.memory_space<vmem>>, %arg7: memref<400x64xf32, #tpu.memory_space<vmem>>, %arg8: memref<400x64xf32, #tpu.memory_space<vmem>>, %arg9: memref<400x64xf32, #tpu.memory_space<vmem>>, %arg10: memref<!tpu.dma_semaphore, #tpu.memory_space<semaphore_mem>>, %arg11: memref<!tpu.dma_semaphore, #tpu.memory_space<semaphore_mem>>, %arg12: memref<!tpu.dma_semaphore, #tpu.memory_space<semaphore_mem>>, %arg13: memref<!tpu.dma_semaphore, #tpu.memory_space<semaphore_mem>>, %arg14: memref<!tpu.dma_semaphore, #tpu.memory_space<semaphore_mem>>, %arg15: memref<!tpu.dma_semaphore, #tpu.memory_space<semaphore_mem>>, %arg16: memref<!tpu.dma_semaphore, #tpu.memory_space<semaphore_mem>>, %arg17: memref<!tpu.dma_semaphore, #tpu.memory_space<semaphore_mem>>) attributes {dimension_semantics = [#tpu.dimension_semantics<core_parallel>, #tpu.dimension_semantics<subcore_parallel>], iteration_bounds = array<i64: 2, 16>, scalar_prefetch = 0 : i64, scratch_operands = 13 : i64, tpu.core_type = #tpu.core_type<sc_vector_subcore>, window_params = [{transform_indices = #map}, {transform_indices = #map1}, {transform_indices = #map}]} {
    %mul3A = arith.constant 2 : i32
    %mul3A_0 = arith.muli %arg1, %mul3A : i32
    %add3A = arith.addi %mul3A_0, %arg0 : i32
    %mul3A_1 = arith.constant 25600 : i32
    %mul3A_2 = arith.muli %add3A, %mul3A_1 : i32
    "tpu.region"() ({
      %run_scoped3A = tpu.sem_alloc : memref<!tpu.dma_semaphore, #tpu.memory_space<semaphore_mem>>
      %dma_start3A_28 = tpu.memref_slice %arg3[%mul3A_2] : memref<819200xi32, #tpu.memory_space<hbm>> -> memref<25600xi32, #tpu.memory_space<hbm>>
      %dma_start3A_29 = tpu.memref_slice %arg3[%mul3A_2] : memref<819200xi32, #tpu.memory_space<hbm>> -> memref<25600xi32, #tpu.memory_space<hbm>>
      tpu.enqueue_dma source(%dma_start3A_29 : memref<25600xi32, #tpu.memory_space<hbm>>) target(%arg5 : memref<25600xi32, #tpu.memory_space<vmem>>) target_semaphore(%run_scoped3A : memref<!tpu.dma_semaphore, #tpu.memory_space<semaphore_mem>>)
      %dma_wait3A_30 = tpu.memref_slice %arg3[%mul3A_2] : memref<819200xi32, #tpu.memory_space<hbm>> -> memref<25600xi32, #tpu.memory_space<hbm>>
      %dma_wait3A_31 = tpu.memref_slice %arg3[%mul3A_2] : memref<819200xi32, #tpu.memory_space<hbm>> -> memref<25600xi32, #tpu.memory_space<hbm>>
      tpu.wait_dma2 semaphore(%run_scoped3A : memref<!tpu.dma_semaphore, #tpu.memory_space<semaphore_mem>>) src(%dma_wait3A_31 : memref<25600xi32, #tpu.memory_space<hbm>>) dst(%arg5 : memref<25600xi32, #tpu.memory_space<vmem>>)
      tpu.yield
    }) : () -> ()
    %dma_start3A = arith.constant 0 : i32
    %dma_start3A_3 = tpu.memref_slice %arg5[%dma_start3A] : memref<25600xi32, #tpu.memory_space<vmem>> -> memref<400xi32, #tpu.memory_space<vmem>>
    %dma_start3A_4 = arith.constant 0 : i32
    %dma_start3A_5 = arith.constant 0 : i32
    %dma_start3A_6 = tpu.memref_slice %arg2[%dma_start3A_4, %dma_start3A_5] : memref<1000000x64xf32, #tpu.memory_space<hbm>> -> memref<1000000x64xf32, #tpu.memory_space<hbm>>
    tpu.enqueue_indirect_dma source(%dma_start3A_6 : memref<1000000x64xf32, #tpu.memory_space<hbm>>) target(%arg6 : memref<400x64xf32, #tpu.memory_space<vmem>>) offsets(%dma_start3A_3 : memref<400xi32, #tpu.memory_space<vmem>>) semaphore(%arg10 : memref<!tpu.dma_semaphore, #tpu.memory_space<semaphore_mem>>)
    %dma_start3A_7 = arith.constant 400 : i32
    %dma_start3A_8 = tpu.memref_slice %arg5[%dma_start3A_7] : memref<25600xi32, #tpu.memory_space<vmem>> -> memref<400xi32, #tpu.memory_space<vmem>>
    %dma_start3A_9 = arith.constant 0 : i32
    %dma_start3A_10 = arith.constant 0 : i32
    %dma_start3A_11 = tpu.memref_slice %arg2[%dma_start3A_9, %dma_start3A_10] : memref<1000000x64xf32, #tpu.memory_space<hbm>> -> memref<1000000x64xf32, #tpu.memory_space<hbm>>
    tpu.enqueue_indirect_dma source(%dma_start3A_11 : memref<1000000x64xf32, #tpu.memory_space<hbm>>) target(%arg7 : memref<400x64xf32, #tpu.memory_space<vmem>>) offsets(%dma_start3A_8 : memref<400xi32, #tpu.memory_space<vmem>>) semaphore(%arg11 : memref<!tpu.dma_semaphore, #tpu.memory_space<semaphore_mem>>)
    %scan3A = arith.constant 0 : i32
    %scan3A_12 = arith.constant 0 : i32
    %scan3A_13 = arith.constant 16 : i32
    %scan3A_14 = arith.addi %scan3A_12, %scan3A_13 : i32
    %scan3A_15 = arith.constant 1 : i32
    scf.for %scan3A_28 = %scan3A_12 to %scan3A_14 step %scan3A_15  : i32 {
      %mul3A_29 = arith.constant 4 : i32
      %mul3A_30 = arith.muli %scan3A_28, %mul3A_29 : i32
      %add3A_31 = arith.constant 0 : i32
      %add3A_32 = arith.addi %mul3A_30, %add3A_31 : i32
      %ge3A = arith.constant 2 : i32
      %ge3A_33 = arith.cmpi sge, %add3A_32, %ge3A : i32
      %convert_element_type3A = arith.extui %ge3A_33 : i1 to i32
      %cond3A = arith.constant 0 : i32
      %cond3A_34 = arith.cmpi ne, %convert_element_type3A, %cond3A : i32
      scf.if %cond3A_34 {
        %sub3A = arith.constant 2 : i32
        %sub3A_152 = arith.subi %add3A_32, %sub3A : i32
        %mul3A_153 = arith.constant 400 : i32
        %mul3A_154 = arith.muli %sub3A_152, %mul3A_153 : i32
        %add3A_155 = arith.addi %mul3A_2, %mul3A_154 : i32
        %dma_wait3A_156 = arith.constant 0 : i32
        %dma_wait3A_157 = tpu.memref_slice %arg4[%add3A_155, %dma_wait3A_156] : memref<819200x64xf32, #tpu.memory_space<hbm>> -> memref<400x64xf32, #tpu.memory_space<hbm>>
        %dma_wait3A_158 = arith.constant 0 : i32
        %dma_wait3A_159 = tpu.memref_slice %arg4[%add3A_155, %dma_wait3A_158] : memref<819200x64xf32, #tpu.memory_space<hbm>> -> memref<400x64xf32, #tpu.memory_space<hbm>>
        tpu.wait_dma2 semaphore(%arg16 : memref<!tpu.dma_semaphore, #tpu.memory_space<semaphore_mem>>) src(%arg8 : memref<400x64xf32, #tpu.memory_space<vmem>>) dst(%dma_wait3A_159 : memref<400x64xf32, #tpu.memory_space<hbm>>)
      } else {
      }
      %add3A_35 = arith.constant 2 : i32
      %add3A_36 = arith.addi %add3A_32, %add3A_35 : i32
      %lt3A = arith.constant 64 : i32
      %lt3A_37 = arith.cmpi slt, %add3A_36, %lt3A : i32
      %convert_element_type3A_38 = arith.extui %lt3A_37 : i1 to i32
      %cond3A_39 = arith.constant 0 : i32
      %cond3A_40 = arith.cmpi ne, %convert_element_type3A_38, %cond3A_39 : i32
      scf.if %cond3A_40 {
        %add3A_152 = arith.constant 2 : i32
        %add3A_153 = arith.addi %add3A_32, %add3A_152 : i32
        %mul3A_154 = arith.constant 400 : i32
        %mul3A_155 = arith.muli %add3A_153, %mul3A_154 : i32
        %dma_start3A_156 = tpu.memref_slice %arg5[%mul3A_155] : memref<25600xi32, #tpu.memory_space<vmem>> -> memref<400xi32, #tpu.memory_space<vmem>>
        %dma_start3A_157 = arith.constant 0 : i32
        %dma_start3A_158 = arith.constant 0 : i32
        %dma_start3A_159 = tpu.memref_slice %arg2[%dma_start3A_157, %dma_start3A_158] : memref<1000000x64xf32, #tpu.memory_space<hbm>> -> memref<1000000x64xf32, #tpu.memory_space<hbm>>
        tpu.enqueue_indirect_dma source(%dma_start3A_159 : memref<1000000x64xf32, #tpu.memory_space<hbm>>) target(%arg8 : memref<400x64xf32, #tpu.memory_space<vmem>>) offsets(%dma_start3A_156 : memref<400xi32, #tpu.memory_space<vmem>>) semaphore(%arg12 : memref<!tpu.dma_semaphore, #tpu.memory_space<semaphore_mem>>)
      } else {
      }
      %mul3A_41 = arith.constant 400 : i32
      %mul3A_42 = arith.muli %add3A_32, %mul3A_41 : i32
      %dma_wait3A_43 = tpu.memref_slice %arg5[%mul3A_42] : memref<25600xi32, #tpu.memory_space<vmem>> -> memref<400xi32, #tpu.memory_space<vmem>>
      %dma_wait3A_44 = arith.constant 0 : i32
      %dma_wait3A_45 = arith.constant 0 : i32
      %dma_wait3A_46 = tpu.memref_slice %arg2[%dma_wait3A_44, %dma_wait3A_45] : memref<1000000x64xf32, #tpu.memory_space<hbm>> -> memref<1000000x64xf32, #tpu.memory_space<hbm>>
      tpu.wait_indirect_dma semaphore(%arg10 : memref<!tpu.dma_semaphore, #tpu.memory_space<semaphore_mem>>) src(%dma_wait3A_46 : memref<1000000x64xf32, #tpu.memory_space<hbm>>) dst(%arg6 : memref<400x64xf32, #tpu.memory_space<vmem>>)
      %parallel_loop3A = arith.constant 0 : i32
      %parallel_loop3A_47 = arith.constant 400 : i32
      %parallel_loop3A_48 = arith.constant 1 : i32
      scf.for %parallel_loop3A_152 = %parallel_loop3A to %parallel_loop3A_47 step %parallel_loop3A_48  : i32 {
        %parallel_loop3A_153 = arith.index_cast %parallel_loop3A_152 : i32 to index
        %parallel_loop3A_154 = arith.constant 0 : index
        %parallel_loop3A_155 = tpu.vector_load %arg6[%parallel_loop3A_153, %parallel_loop3A_154] {strides = array<i32>} : memref<400x64xf32, #tpu.memory_space<vmem>>, vector<1x16xf32>,
        %parallel_loop3A_156 = vector.shape_cast %parallel_loop3A_155 : vector<1x16xf32> to vector<16xf32>
        %parallel_loop3A_157 = arith.constant 8.000000e+00 : f32
        %parallel_loop3A_158 = vector.broadcast %parallel_loop3A_157 : f32 to vector<16xf32>
        %parallel_loop3A_159 = arith.mulf %parallel_loop3A_156, %parallel_loop3A_158 : vector<16xf32>
        %parallel_loop3A_160 = arith.index_cast %parallel_loop3A_152 : i32 to index
        %parallel_loop3A_161 = arith.constant 0 : index
        %parallel_loop3A_162 = tpu.vector_load %arg6[%parallel_loop3A_160, %parallel_loop3A_161] {strides = array<i32>} : memref<400x64xf32, #tpu.memory_space<vmem>>, vector<1x16xf32>,
        %parallel_loop3A_163 = vector.shape_cast %parallel_loop3A_162 : vector<1x16xf32> to vector<16xf32>
        %parallel_loop3A_164 = vector.shape_cast %parallel_loop3A_159 : vector<16xf32> to vector<1x16xf32>
        tpu.vector_store %arg6[%parallel_loop3A_160, %parallel_loop3A_161], %parallel_loop3A_164 {strides = array<i32>} : memref<400x64xf32, #tpu.memory_space<vmem>>, vector<1x16xf32>,
        %parallel_loop3A_165 = arith.index_cast %parallel_loop3A_152 : i32 to index
        %parallel_loop3A_166 = arith.constant 16 : index
        %parallel_loop3A_167 = tpu.vector_load %arg6[%parallel_loop3A_165, %parallel_loop3A_166] {strides = array<i32>} : memref<400x64xf32, #tpu.memory_space<vmem>>, vector<1x16xf32>,
        %parallel_loop3A_168 = vector.shape_cast %parallel_loop3A_167 : vector<1x16xf32> to vector<16xf32>
        %parallel_loop3A_169 = arith.constant 8.000000e+00 : f32
        %parallel_loop3A_170 = vector.broadcast %parallel_loop3A_169 : f32 to vector<16xf32>
        %parallel_loop3A_171 = arith.mulf %parallel_loop3A_168, %parallel_loop3A_170 : vector<16xf32>
        %parallel_loop3A_172 = arith.index_cast %parallel_loop3A_152 : i32 to index
        %parallel_loop3A_173 = arith.constant 16 : index
        %parallel_loop3A_174 = tpu.vector_load %arg6[%parallel_loop3A_172, %parallel_loop3A_173] {strides = array<i32>} : memref<400x64xf32, #tpu.memory_space<vmem>>, vector<1x16xf32>,
        %parallel_loop3A_175 = vector.shape_cast %parallel_loop3A_174 : vector<1x16xf32> to vector<16xf32>
        %parallel_loop3A_176 = vector.shape_cast %parallel_loop3A_171 : vector<16xf32> to vector<1x16xf32>
        tpu.vector_store %arg6[%parallel_loop3A_172, %parallel_loop3A_173], %parallel_loop3A_176 {strides = array<i32>} : memref<400x64xf32, #tpu.memory_space<vmem>>, vector<1x16xf32>,
        %parallel_loop3A_177 = arith.index_cast %parallel_loop3A_152 : i32 to index
        %parallel_loop3A_178 = arith.constant 32 : index
        %parallel_loop3A_179 = tpu.vector_load %arg6[%parallel_loop3A_177, %parallel_loop3A_178] {strides = array<i32>} : memref<400x64xf32, #tpu.memory_space<vmem>>, vector<1x16xf32>,
        %parallel_loop3A_180 = vector.shape_cast %parallel_loop3A_179 : vector<1x16xf32> to vector<16xf32>
        %parallel_loop3A_181 = arith.constant 8.000000e+00 : f32
        %parallel_loop3A_182 = vector.broadcast %parallel_loop3A_181 : f32 to vector<16xf32>
        %parallel_loop3A_183 = arith.mulf %parallel_loop3A_180, %parallel_loop3A_182 : vector<16xf32>
        %parallel_loop3A_184 = arith.index_cast %parallel_loop3A_152 : i32 to index
        %parallel_loop3A_185 = arith.constant 32 : index
        %parallel_loop3A_186 = tpu.vector_load %arg6[%parallel_loop3A_184, %parallel_loop3A_185] {strides = array<i32>} : memref<400x64xf32, #tpu.memory_space<vmem>>, vector<1x16xf32>,
        %parallel_loop3A_187 = vector.shape_cast %parallel_loop3A_186 : vector<1x16xf32> to vector<16xf32>
        %parallel_loop3A_188 = vector.shape_cast %parallel_loop3A_183 : vector<16xf32> to vector<1x16xf32>
        tpu.vector_store %arg6[%parallel_loop3A_184, %parallel_loop3A_185], %parallel_loop3A_188 {strides = array<i32>} : memref<400x64xf32, #tpu.memory_space<vmem>>, vector<1x16xf32>,
        %parallel_loop3A_189 = arith.index_cast %parallel_loop3A_152 : i32 to index
        %parallel_loop3A_190 = arith.constant 48 : index
        %parallel_loop3A_191 = tpu.vector_load %arg6[%parallel_loop3A_189, %parallel_loop3A_190] {strides = array<i32>} : memref<400x64xf32, #tpu.memory_space<vmem>>, vector<1x16xf32>,
        %parallel_loop3A_192 = vector.shape_cast %parallel_loop3A_191 : vector<1x16xf32> to vector<16xf32>
        %parallel_loop3A_193 = arith.constant 8.000000e+00 : f32
        %parallel_loop3A_194 = vector.broadcast %parallel_loop3A_193 : f32 to vector<16xf32>
        %parallel_loop3A_195 = arith.mulf %parallel_loop3A_192, %parallel_loop3A_194 : vector<16xf32>
        %parallel_loop3A_196 = arith.index_cast %parallel_loop3A_152 : i32 to index
        %parallel_loop3A_197 = arith.constant 48 : index
        %parallel_loop3A_198 = tpu.vector_load %arg6[%parallel_loop3A_196, %parallel_loop3A_197] {strides = array<i32>} : memref<400x64xf32, #tpu.memory_space<vmem>>, vector<1x16xf32>,
        %parallel_loop3A_199 = vector.shape_cast %parallel_loop3A_198 : vector<1x16xf32> to vector<16xf32>
        %parallel_loop3A_200 = vector.shape_cast %parallel_loop3A_195 : vector<16xf32> to vector<1x16xf32>
        tpu.vector_store %arg6[%parallel_loop3A_196, %parallel_loop3A_197], %parallel_loop3A_200 {strides = array<i32>} : memref<400x64xf32, #tpu.memory_space<vmem>>, vector<1x16xf32>,
      } {sc.loop_unroll_factor = 4 : i64, sc.parallel_access}
      %mul3A_49 = arith.constant 400 : i32
      %mul3A_50 = arith.muli %add3A_32, %mul3A_49 : i32
      %add3A_51 = arith.addi %mul3A_2, %mul3A_50 : i32
      %dma_start3A_52 = arith.constant 0 : i32
      %dma_start3A_53 = tpu.memref_slice %arg4[%add3A_51, %dma_start3A_52] : memref<819200x64xf32, #tpu.memory_space<hbm>> -> memref<400x64xf32, #tpu.memory_space<hbm>>
      %dma_start3A_54 = arith.constant 0 : i32
      %dma_start3A_55 = tpu.memref_slice %arg4[%add3A_51, %dma_start3A_54] : memref<819200x64xf32, #tpu.memory_space<hbm>> -> memref<400x64xf32, #tpu.memory_space<hbm>>
      tpu.enqueue_dma source(%arg6 : memref<400x64xf32, #tpu.memory_space<vmem>>) target(%dma_start3A_55 : memref<400x64xf32, #tpu.memory_space<hbm>>) target_semaphore(%arg14 : memref<!tpu.dma_semaphore, #tpu.memory_space<semaphore_mem>>)
      %mul3A_56 = arith.constant 4 : i32
      %mul3A_57 = arith.muli %scan3A_28, %mul3A_56 : i32
      %add3A_58 = arith.constant 1 : i32
      %add3A_59 = arith.addi %mul3A_57, %add3A_58 : i32
      %ge3A_60 = arith.constant 2 : i32
      %ge3A_61 = arith.cmpi sge, %add3A_59, %ge3A_60 : i32
      %convert_element_type3A_62 = arith.extui %ge3A_61 : i1 to i32
      %cond3A_63 = arith.constant 0 : i32
      %cond3A_64 = arith.cmpi ne, %convert_element_type3A_62, %cond3A_63 : i32
      scf.if %cond3A_64 {
        %sub3A = arith.constant 2 : i32
        %sub3A_152 = arith.subi %add3A_59, %sub3A : i32
        %mul3A_153 = arith.constant 400 : i32
        %mul3A_154 = arith.muli %sub3A_152, %mul3A_153 : i32
        %add3A_155 = arith.addi %mul3A_2, %mul3A_154 : i32
        %dma_wait3A_156 = arith.constant 0 : i32
        %dma_wait3A_157 = tpu.memref_slice %arg4[%add3A_155, %dma_wait3A_156] : memref<819200x64xf32, #tpu.memory_space<hbm>> -> memref<400x64xf32, #tpu.memory_space<hbm>>
        %dma_wait3A_158 = arith.constant 0 : i32
        %dma_wait3A_159 = tpu.memref_slice %arg4[%add3A_155, %dma_wait3A_158] : memref<819200x64xf32, #tpu.memory_space<hbm>> -> memref<400x64xf32, #tpu.memory_space<hbm>>
        tpu.wait_dma2 semaphore(%arg17 : memref<!tpu.dma_semaphore, #tpu.memory_space<semaphore_mem>>) src(%arg9 : memref<400x64xf32, #tpu.memory_space<vmem>>) dst(%dma_wait3A_159 : memref<400x64xf32, #tpu.memory_space<hbm>>)
      } else {
      }
      %add3A_65 = arith.constant 2 : i32
      %add3A_66 = arith.addi %add3A_59, %add3A_65 : i32
      %lt3A_67 = arith.constant 64 : i32
      %lt3A_68 = arith.cmpi slt, %add3A_66, %lt3A_67 : i32
      %convert_element_type3A_69 = arith.extui %lt3A_68 : i1 to i32
      %cond3A_70 = arith.constant 0 : i32
      %cond3A_71 = arith.cmpi ne, %convert_element_type3A_69, %cond3A_70 : i32
      scf.if %cond3A_71 {
        %add3A_152 = arith.constant 2 : i32
        %add3A_153 = arith.addi %add3A_59, %add3A_152 : i32
        %mul3A_154 = arith.constant 400 : i32
        %mul3A_155 = arith.muli %add3A_153, %mul3A_154 : i32
        %dma_start3A_156 = tpu.memref_slice %arg5[%mul3A_155] : memref<25600xi32, #tpu.memory_space<vmem>> -> memref<400xi32, #tpu.memory_space<vmem>>
        %dma_start3A_157 = arith.constant 0 : i32
        %dma_start3A_158 = arith.constant 0 : i32
        %dma_start3A_159 = tpu.memref_slice %arg2[%dma_start3A_157, %dma_start3A_158] : memref<1000000x64xf32, #tpu.memory_space<hbm>> -> memref<1000000x64xf32, #tpu.memory_space<hbm>>
        tpu.enqueue_indirect_dma source(%dma_start3A_159 : memref<1000000x64xf32, #tpu.memory_space<hbm>>) target(%arg9 : memref<400x64xf32, #tpu.memory_space<vmem>>) offsets(%dma_start3A_156 : memref<400xi32, #tpu.memory_space<vmem>>) semaphore(%arg13 : memref<!tpu.dma_semaphore, #tpu.memory_space<semaphore_mem>>)
      } else {
      }
      %mul3A_72 = arith.constant 400 : i32
      %mul3A_73 = arith.muli %add3A_59, %mul3A_72 : i32
      %dma_wait3A_74 = tpu.memref_slice %arg5[%mul3A_73] : memref<25600xi32, #tpu.memory_space<vmem>> -> memref<400xi32, #tpu.memory_space<vmem>>
      %dma_wait3A_75 = arith.constant 0 : i32
      %dma_wait3A_76 = arith.constant 0 : i32
      %dma_wait3A_77 = tpu.memref_slice %arg2[%dma_wait3A_75, %dma_wait3A_76] : memref<1000000x64xf32, #tpu.memory_space<hbm>> -> memref<1000000x64xf32, #tpu.memory_space<hbm>>
      tpu.wait_indirect_dma semaphore(%arg11 : memref<!tpu.dma_semaphore, #tpu.memory_space<semaphore_mem>>) src(%dma_wait3A_77 : memref<1000000x64xf32, #tpu.memory_space<hbm>>) dst(%arg7 : memref<400x64xf32, #tpu.memory_space<vmem>>)
      %parallel_loop3A_78 = arith.constant 0 : i32
      %parallel_loop3A_79 = arith.constant 400 : i32
      %parallel_loop3A_80 = arith.constant 1 : i32
      scf.for %parallel_loop3A_152 = %parallel_loop3A_78 to %parallel_loop3A_79 step %parallel_loop3A_80  : i32 {
        %parallel_loop3A_153 = arith.index_cast %parallel_loop3A_152 : i32 to index
        %parallel_loop3A_154 = arith.constant 0 : index
        %parallel_loop3A_155 = tpu.vector_load %arg7[%parallel_loop3A_153, %parallel_loop3A_154] {strides = array<i32>} : memref<400x64xf32, #tpu.memory_space<vmem>>, vector<1x16xf32>,
        %parallel_loop3A_156 = vector.shape_cast %parallel_loop3A_155 : vector<1x16xf32> to vector<16xf32>
        %parallel_loop3A_157 = arith.constant 8.000000e+00 : f32
        %parallel_loop3A_158 = vector.broadcast %parallel_loop3A_157 : f32 to vector<16xf32>
        %parallel_loop3A_159 = arith.mulf %parallel_loop3A_156, %parallel_loop3A_158 : vector<16xf32>
        %parallel_loop3A_160 = arith.index_cast %parallel_loop3A_152 : i32 to index
        %parallel_loop3A_161 = arith.constant 0 : index
        %parallel_loop3A_162 = tpu.vector_load %arg7[%parallel_loop3A_160, %parallel_loop3A_161] {strides = array<i32>} : memref<400x64xf32, #tpu.memory_space<vmem>>, vector<1x16xf32>,
        %parallel_loop3A_163 = vector.shape_cast %parallel_loop3A_162 : vector<1x16xf32> to vector<16xf32>
        %parallel_loop3A_164 = vector.shape_cast %parallel_loop3A_159 : vector<16xf32> to vector<1x16xf32>
        tpu.vector_store %arg7[%parallel_loop3A_160, %parallel_loop3A_161], %parallel_loop3A_164 {strides = array<i32>} : memref<400x64xf32, #tpu.memory_space<vmem>>, vector<1x16xf32>,
        %parallel_loop3A_165 = arith.index_cast %parallel_loop3A_152 : i32 to index
        %parallel_loop3A_166 = arith.constant 16 : index
        %parallel_loop3A_167 = tpu.vector_load %arg7[%parallel_loop3A_165, %parallel_loop3A_166] {strides = array<i32>} : memref<400x64xf32, #tpu.memory_space<vmem>>, vector<1x16xf32>,
        %parallel_loop3A_168 = vector.shape_cast %parallel_loop3A_167 : vector<1x16xf32> to vector<16xf32>
        %parallel_loop3A_169 = arith.constant 8.000000e+00 : f32
        %parallel_loop3A_170 = vector.broadcast %parallel_loop3A_169 : f32 to vector<16xf32>
        %parallel_loop3A_171 = arith.mulf %parallel_loop3A_168, %parallel_loop3A_170 : vector<16xf32>
        %parallel_loop3A_172 = arith.index_cast %parallel_loop3A_152 : i32 to index
        %parallel_loop3A_173 = arith.constant 16 : index
        %parallel_loop3A_174 = tpu.vector_load %arg7[%parallel_loop3A_172, %parallel_loop3A_173] {strides = array<i32>} : memref<400x64xf32, #tpu.memory_space<vmem>>, vector<1x16xf32>,
        %parallel_loop3A_175 = vector.shape_cast %parallel_loop3A_174 : vector<1x16xf32> to vector<16xf32>
        %parallel_loop3A_176 = vector.shape_cast %parallel_loop3A_171 : vector<16xf32> to vector<1x16xf32>
        tpu.vector_store %arg7[%parallel_loop3A_172, %parallel_loop3A_173], %parallel_loop3A_176 {strides = array<i32>} : memref<400x64xf32, #tpu.memory_space<vmem>>, vector<1x16xf32>,
        %parallel_loop3A_177 = arith.index_cast %parallel_loop3A_152 : i32 to index
        %parallel_loop3A_178 = arith.constant 32 : index
        %parallel_loop3A_179 = tpu.vector_load %arg7[%parallel_loop3A_177, %parallel_loop3A_178] {strides = array<i32>} : memref<400x64xf32, #tpu.memory_space<vmem>>, vector<1x16xf32>,
        %parallel_loop3A_180 = vector.shape_cast %parallel_loop3A_179 : vector<1x16xf32> to vector<16xf32>
        %parallel_loop3A_181 = arith.constant 8.000000e+00 : f32
        %parallel_loop3A_182 = vector.broadcast %parallel_loop3A_181 : f32 to vector<16xf32>
        %parallel_loop3A_183 = arith.mulf %parallel_loop3A_180, %parallel_loop3A_182 : vector<16xf32>
        %parallel_loop3A_184 = arith.index_cast %parallel_loop3A_152 : i32 to index
        %parallel_loop3A_185 = arith.constant 32 : index
        %parallel_loop3A_186 = tpu.vector_load %arg7[%parallel_loop3A_184, %parallel_loop3A_185] {strides = array<i32>} : memref<400x64xf32, #tpu.memory_space<vmem>>, vector<1x16xf32>,
        %parallel_loop3A_187 = vector.shape_cast %parallel_loop3A_186 : vector<1x16xf32> to vector<16xf32>
        %parallel_loop3A_188 = vector.shape_cast %parallel_loop3A_183 : vector<16xf32> to vector<1x16xf32>
        tpu.vector_store %arg7[%parallel_loop3A_184, %parallel_loop3A_185], %parallel_loop3A_188 {strides = array<i32>} : memref<400x64xf32, #tpu.memory_space<vmem>>, vector<1x16xf32>,
        %parallel_loop3A_189 = arith.index_cast %parallel_loop3A_152 : i32 to index
        %parallel_loop3A_190 = arith.constant 48 : index
        %parallel_loop3A_191 = tpu.vector_load %arg7[%parallel_loop3A_189, %parallel_loop3A_190] {strides = array<i32>} : memref<400x64xf32, #tpu.memory_space<vmem>>, vector<1x16xf32>,
        %parallel_loop3A_192 = vector.shape_cast %parallel_loop3A_191 : vector<1x16xf32> to vector<16xf32>
        %parallel_loop3A_193 = arith.constant 8.000000e+00 : f32
        %parallel_loop3A_194 = vector.broadcast %parallel_loop3A_193 : f32 to vector<16xf32>
        %parallel_loop3A_195 = arith.mulf %parallel_loop3A_192, %parallel_loop3A_194 : vector<16xf32>
        %parallel_loop3A_196 = arith.index_cast %parallel_loop3A_152 : i32 to index
        %parallel_loop3A_197 = arith.constant 48 : index
        %parallel_loop3A_198 = tpu.vector_load %arg7[%parallel_loop3A_196, %parallel_loop3A_197] {strides = array<i32>} : memref<400x64xf32, #tpu.memory_space<vmem>>, vector<1x16xf32>,
        %parallel_loop3A_199 = vector.shape_cast %parallel_loop3A_198 : vector<1x16xf32> to vector<16xf32>
        %parallel_loop3A_200 = vector.shape_cast %parallel_loop3A_195 : vector<16xf32> to vector<1x16xf32>
        tpu.vector_store %arg7[%parallel_loop3A_196, %parallel_loop3A_197], %parallel_loop3A_200 {strides = array<i32>} : memref<400x64xf32, #tpu.memory_space<vmem>>, vector<1x16xf32>,
      } {sc.loop_unroll_factor = 4 : i64, sc.parallel_access}
      %mul3A_81 = arith.constant 400 : i32
      %mul3A_82 = arith.muli %add3A_59, %mul3A_81 : i32
      %add3A_83 = arith.addi %mul3A_2, %mul3A_82 : i32
      %dma_start3A_84 = arith.constant 0 : i32
      %dma_start3A_85 = tpu.memref_slice %arg4[%add3A_83, %dma_start3A_84] : memref<819200x64xf32, #tpu.memory_space<hbm>> -> memref<400x64xf32, #tpu.memory_space<hbm>>
      %dma_start3A_86 = arith.constant 0 : i32
      %dma_start3A_87 = tpu.memref_slice %arg4[%add3A_83, %dma_start3A_86] : memref<819200x64xf32, #tpu.memory_space<hbm>> -> memref<400x64xf32, #tpu.memory_space<hbm>>
      tpu.enqueue_dma source(%arg7 : memref<400x64xf32, #tpu.memory_space<vmem>>) target(%dma_start3A_87 : memref<400x64xf32, #tpu.memory_space<hbm>>) target_semaphore(%arg15 : memref<!tpu.dma_semaphore, #tpu.memory_space<semaphore_mem>>)
      %mul3A_88 = arith.constant 4 : i32
      %mul3A_89 = arith.muli %scan3A_28, %mul3A_88 : i32
      %add3A_90 = arith.constant 2 : i32
      %add3A_91 = arith.addi %mul3A_89, %add3A_90 : i32
      %ge3A_92 = arith.constant 2 : i32
      %ge3A_93 = arith.cmpi sge, %add3A_91, %ge3A_92 : i32
      %convert_element_type3A_94 = arith.extui %ge3A_93 : i1 to i32
      %cond3A_95 = arith.constant 0 : i32
      %cond3A_96 = arith.cmpi ne, %convert_element_type3A_94, %cond3A_95 : i32
      scf.if %cond3A_96 {
        %sub3A = arith.constant 2 : i32
        %sub3A_152 = arith.subi %add3A_91, %sub3A : i32
        %mul3A_153 = arith.constant 400 : i32
        %mul3A_154 = arith.muli %sub3A_152, %mul3A_153 : i32
        %add3A_155 = arith.addi %mul3A_2, %mul3A_154 : i32
        %dma_wait3A_156 = arith.constant 0 : i32
        %dma_wait3A_157 = tpu.memref_slice %arg4[%add3A_155, %dma_wait3A_156] : memref<819200x64xf32, #tpu.memory_space<hbm>> -> memref<400x64xf32, #tpu.memory_space<hbm>>
        %dma_wait3A_158 = arith.constant 0 : i32
        %dma_wait3A_159 = tpu.memref_slice %arg4[%add3A_155, %dma_wait3A_158] : memref<819200x64xf32, #tpu.memory_space<hbm>> -> memref<400x64xf32, #tpu.memory_space<hbm>>
        tpu.wait_dma2 semaphore(%arg14 : memref<!tpu.dma_semaphore, #tpu.memory_space<semaphore_mem>>) src(%arg6 : memref<400x64xf32, #tpu.memory_space<vmem>>) dst(%dma_wait3A_159 : memref<400x64xf32, #tpu.memory_space<hbm>>)
      } else {
      }
      %add3A_97 = arith.constant 2 : i32
      %add3A_98 = arith.addi %add3A_91, %add3A_97 : i32
      %lt3A_99 = arith.constant 64 : i32
      %lt3A_100 = arith.cmpi slt, %add3A_98, %lt3A_99 : i32
      %convert_element_type3A_101 = arith.extui %lt3A_100 : i1 to i32
      %cond3A_102 = arith.constant 0 : i32
      %cond3A_103 = arith.cmpi ne, %convert_element_type3A_101, %cond3A_102 : i32
      scf.if %cond3A_103 {
        %add3A_152 = arith.constant 2 : i32
        %add3A_153 = arith.addi %add3A_91, %add3A_152 : i32
        %mul3A_154 = arith.constant 400 : i32
        %mul3A_155 = arith.muli %add3A_153, %mul3A_154 : i32
        %dma_start3A_156 = tpu.memref_slice %arg5[%mul3A_155] : memref<25600xi32, #tpu.memory_space<vmem>> -> memref<400xi32, #tpu.memory_space<vmem>>
        %dma_start3A_157 = arith.constant 0 : i32
        %dma_start3A_158 = arith.constant 0 : i32
        %dma_start3A_159 = tpu.memref_slice %arg2[%dma_start3A_157, %dma_start3A_158] : memref<1000000x64xf32, #tpu.memory_space<hbm>> -> memref<1000000x64xf32, #tpu.memory_space<hbm>>
        tpu.enqueue_indirect_dma source(%dma_start3A_159 : memref<1000000x64xf32, #tpu.memory_space<hbm>>) target(%arg6 : memref<400x64xf32, #tpu.memory_space<vmem>>) offsets(%dma_start3A_156 : memref<400xi32, #tpu.memory_space<vmem>>) semaphore(%arg10 : memref<!tpu.dma_semaphore, #tpu.memory_space<semaphore_mem>>)
      } else {
      }
      %mul3A_104 = arith.constant 400 : i32
      %mul3A_105 = arith.muli %add3A_91, %mul3A_104 : i32
      %dma_wait3A_106 = tpu.memref_slice %arg5[%mul3A_105] : memref<25600xi32, #tpu.memory_space<vmem>> -> memref<400xi32, #tpu.memory_space<vmem>>
      %dma_wait3A_107 = arith.constant 0 : i32
      %dma_wait3A_108 = arith.constant 0 : i32
      %dma_wait3A_109 = tpu.memref_slice %arg2[%dma_wait3A_107, %dma_wait3A_108] : memref<1000000x64xf32, #tpu.memory_space<hbm>> -> memref<1000000x64xf32, #tpu.memory_space<hbm>>
      tpu.wait_indirect_dma semaphore(%arg12 : memref<!tpu.dma_semaphore, #tpu.memory_space<semaphore_mem>>) src(%dma_wait3A_109 : memref<1000000x64xf32, #tpu.memory_space<hbm>>) dst(%arg8 : memref<400x64xf32, #tpu.memory_space<vmem>>)
      %parallel_loop3A_110 = arith.constant 0 : i32
      %parallel_loop3A_111 = arith.constant 400 : i32
      %parallel_loop3A_112 = arith.constant 1 : i32
      scf.for %parallel_loop3A_152 = %parallel_loop3A_110 to %parallel_loop3A_111 step %parallel_loop3A_112  : i32 {
        %parallel_loop3A_153 = arith.index_cast %parallel_loop3A_152 : i32 to index
        %parallel_loop3A_154 = arith.constant 0 : index
        %parallel_loop3A_155 = tpu.vector_load %arg8[%parallel_loop3A_153, %parallel_loop3A_154] {strides = array<i32>} : memref<400x64xf32, #tpu.memory_space<vmem>>, vector<1x16xf32>,
        %parallel_loop3A_156 = vector.shape_cast %parallel_loop3A_155 : vector<1x16xf32> to vector<16xf32>
        %parallel_loop3A_157 = arith.constant 8.000000e+00 : f32
        %parallel_loop3A_158 = vector.broadcast %parallel_loop3A_157 : f32 to vector<16xf32>
        %parallel_loop3A_159 = arith.mulf %parallel_loop3A_156, %parallel_loop3A_158 : vector<16xf32>
        %parallel_loop3A_160 = arith.index_cast %parallel_loop3A_152 : i32 to index
        %parallel_loop3A_161 = arith.constant 0 : index
        %parallel_loop3A_162 = tpu.vector_load %arg8[%parallel_loop3A_160, %parallel_loop3A_161] {strides = array<i32>} : memref<400x64xf32, #tpu.memory_space<vmem>>, vector<1x16xf32>,
        %parallel_loop3A_163 = vector.shape_cast %parallel_loop3A_162 : vector<1x16xf32> to vector<16xf32>
        %parallel_loop3A_164 = vector.shape_cast %parallel_loop3A_159 : vector<16xf32> to vector<1x16xf32>
        tpu.vector_store %arg8[%parallel_loop3A_160, %parallel_loop3A_161], %parallel_loop3A_164 {strides = array<i32>} : memref<400x64xf32, #tpu.memory_space<vmem>>, vector<1x16xf32>,
        %parallel_loop3A_165 = arith.index_cast %parallel_loop3A_152 : i32 to index
        %parallel_loop3A_166 = arith.constant 16 : index
        %parallel_loop3A_167 = tpu.vector_load %arg8[%parallel_loop3A_165, %parallel_loop3A_166] {strides = array<i32>} : memref<400x64xf32, #tpu.memory_space<vmem>>, vector<1x16xf32>,
        %parallel_loop3A_168 = vector.shape_cast %parallel_loop3A_167 : vector<1x16xf32> to vector<16xf32>
        %parallel_loop3A_169 = arith.constant 8.000000e+00 : f32
        %parallel_loop3A_170 = vector.broadcast %parallel_loop3A_169 : f32 to vector<16xf32>
        %parallel_loop3A_171 = arith.mulf %parallel_loop3A_168, %parallel_loop3A_170 : vector<16xf32>
        %parallel_loop3A_172 = arith.index_cast %parallel_loop3A_152 : i32 to index
        %parallel_loop3A_173 = arith.constant 16 : index
        %parallel_loop3A_174 = tpu.vector_load %arg8[%parallel_loop3A_172, %parallel_loop3A_173] {strides = array<i32>} : memref<400x64xf32, #tpu.memory_space<vmem>>, vector<1x16xf32>,
        %parallel_loop3A_175 = vector.shape_cast %parallel_loop3A_174 : vector<1x16xf32> to vector<16xf32>
        %parallel_loop3A_176 = vector.shape_cast %parallel_loop3A_171 : vector<16xf32> to vector<1x16xf32>
        tpu.vector_store %arg8[%parallel_loop3A_172, %parallel_loop3A_173], %parallel_loop3A_176 {strides = array<i32>} : memref<400x64xf32, #tpu.memory_space<vmem>>, vector<1x16xf32>,
        %parallel_loop3A_177 = arith.index_cast %parallel_loop3A_152 : i32 to index
        %parallel_loop3A_178 = arith.constant 32 : index
        %parallel_loop3A_179 = tpu.vector_load %arg8[%parallel_loop3A_177, %parallel_loop3A_178] {strides = array<i32>} : memref<400x64xf32, #tpu.memory_space<vmem>>, vector<1x16xf32>,
        %parallel_loop3A_180 = vector.shape_cast %parallel_loop3A_179 : vector<1x16xf32> to vector<16xf32>
        %parallel_loop3A_181 = arith.constant 8.000000e+00 : f32
        %parallel_loop3A_182 = vector.broadcast %parallel_loop3A_181 : f32 to vector<16xf32>
        %parallel_loop3A_183 = arith.mulf %parallel_loop3A_180, %parallel_loop3A_182 : vector<16xf32>
        %parallel_loop3A_184 = arith.index_cast %parallel_loop3A_152 : i32 to index
        %parallel_loop3A_185 = arith.constant 32 : index
        %parallel_loop3A_186 = tpu.vector_load %arg8[%parallel_loop3A_184, %parallel_loop3A_185] {strides = array<i32>} : memref<400x64xf32, #tpu.memory_space<vmem>>, vector<1x16xf32>,
        %parallel_loop3A_187 = vector.shape_cast %parallel_loop3A_186 : vector<1x16xf32> to vector<16xf32>
        %parallel_loop3A_188 = vector.shape_cast %parallel_loop3A_183 : vector<16xf32> to vector<1x16xf32>
        tpu.vector_store %arg8[%parallel_loop3A_184, %parallel_loop3A_185], %parallel_loop3A_188 {strides = array<i32>} : memref<400x64xf32, #tpu.memory_space<vmem>>, vector<1x16xf32>,
        %parallel_loop3A_189 = arith.index_cast %parallel_loop3A_152 : i32 to index
        %parallel_loop3A_190 = arith.constant 48 : index
        %parallel_loop3A_191 = tpu.vector_load %arg8[%parallel_loop3A_189, %parallel_loop3A_190] {strides = array<i32>} : memref<400x64xf32, #tpu.memory_space<vmem>>, vector<1x16xf32>,
        %parallel_loop3A_192 = vector.shape_cast %parallel_loop3A_191 : vector<1x16xf32> to vector<16xf32>
        %parallel_loop3A_193 = arith.constant 8.000000e+00 : f32
        %parallel_loop3A_194 = vector.broadcast %parallel_loop3A_193 : f32 to vector<16xf32>
        %parallel_loop3A_195 = arith.mulf %parallel_loop3A_192, %parallel_loop3A_194 : vector<16xf32>
        %parallel_loop3A_196 = arith.index_cast %parallel_loop3A_152 : i32 to index
        %parallel_loop3A_197 = arith.constant 48 : index
        %parallel_loop3A_198 = tpu.vector_load %arg8[%parallel_loop3A_196, %parallel_loop3A_197] {strides = array<i32>} : memref<400x64xf32, #tpu.memory_space<vmem>>, vector<1x16xf32>,
        %parallel_loop3A_199 = vector.shape_cast %parallel_loop3A_198 : vector<1x16xf32> to vector<16xf32>
        %parallel_loop3A_200 = vector.shape_cast %parallel_loop3A_195 : vector<16xf32> to vector<1x16xf32>
        tpu.vector_store %arg8[%parallel_loop3A_196, %parallel_loop3A_197], %parallel_loop3A_200 {strides = array<i32>} : memref<400x64xf32, #tpu.memory_space<vmem>>, vector<1x16xf32>,
      } {sc.loop_unroll_factor = 4 : i64, sc.parallel_access}
      %mul3A_113 = arith.constant 400 : i32
      %mul3A_114 = arith.muli %add3A_91, %mul3A_113 : i32
      %add3A_115 = arith.addi %mul3A_2, %mul3A_114 : i32
      %dma_start3A_116 = arith.constant 0 : i32
      %dma_start3A_117 = tpu.memref_slice %arg4[%add3A_115, %dma_start3A_116] : memref<819200x64xf32, #tpu.memory_space<hbm>> -> memref<400x64xf32, #tpu.memory_space<hbm>>
      %dma_start3A_118 = arith.constant 0 : i32
      %dma_start3A_119 = tpu.memref_slice %arg4[%add3A_115, %dma_start3A_118] : memref<819200x64xf32, #tpu.memory_space<hbm>> -> memref<400x64xf32, #tpu.memory_space<hbm>>
      tpu.enqueue_dma source(%arg8 : memref<400x64xf32, #tpu.memory_space<vmem>>) target(%dma_start3A_119 : memref<400x64xf32, #tpu.memory_space<hbm>>) target_semaphore(%arg16 : memref<!tpu.dma_semaphore, #tpu.memory_space<semaphore_mem>>)
      %mul3A_120 = arith.constant 4 : i32
      %mul3A_121 = arith.muli %scan3A_28, %mul3A_120 : i32
      %add3A_122 = arith.constant 3 : i32
      %add3A_123 = arith.addi %mul3A_121, %add3A_122 : i32
      %ge3A_124 = arith.constant 2 : i32
      %ge3A_125 = arith.cmpi sge, %add3A_123, %ge3A_124 : i32
      %convert_element_type3A_126 = arith.extui %ge3A_125 : i1 to i32
      %cond3A_127 = arith.constant 0 : i32
      %cond3A_128 = arith.cmpi ne, %convert_element_type3A_126, %cond3A_127 : i32
      scf.if %cond3A_128 {
        %sub3A = arith.constant 2 : i32
        %sub3A_152 = arith.subi %add3A_123, %sub3A : i32
        %mul3A_153 = arith.constant 400 : i32
        %mul3A_154 = arith.muli %sub3A_152, %mul3A_153 : i32
        %add3A_155 = arith.addi %mul3A_2, %mul3A_154 : i32
        %dma_wait3A_156 = arith.constant 0 : i32
        %dma_wait3A_157 = tpu.memref_slice %arg4[%add3A_155, %dma_wait3A_156] : memref<819200x64xf32, #tpu.memory_space<hbm>> -> memref<400x64xf32, #tpu.memory_space<hbm>>
        %dma_wait3A_158 = arith.constant 0 : i32
        %dma_wait3A_159 = tpu.memref_slice %arg4[%add3A_155, %dma_wait3A_158] : memref<819200x64xf32, #tpu.memory_space<hbm>> -> memref<400x64xf32, #tpu.memory_space<hbm>>
        tpu.wait_dma2 semaphore(%arg15 : memref<!tpu.dma_semaphore, #tpu.memory_space<semaphore_mem>>) src(%arg7 : memref<400x64xf32, #tpu.memory_space<vmem>>) dst(%dma_wait3A_159 : memref<400x64xf32, #tpu.memory_space<hbm>>)
      } else {
      }
      %add3A_129 = arith.constant 2 : i32
      %add3A_130 = arith.addi %add3A_123, %add3A_129 : i32
      %lt3A_131 = arith.constant 64 : i32
      %lt3A_132 = arith.cmpi slt, %add3A_130, %lt3A_131 : i32
      %convert_element_type3A_133 = arith.extui %lt3A_132 : i1 to i32
      %cond3A_134 = arith.constant 0 : i32
      %cond3A_135 = arith.cmpi ne, %convert_element_type3A_133, %cond3A_134 : i32
      scf.if %cond3A_135 {
        %add3A_152 = arith.constant 2 : i32
        %add3A_153 = arith.addi %add3A_123, %add3A_152 : i32
        %mul3A_154 = arith.constant 400 : i32
        %mul3A_155 = arith.muli %add3A_153, %mul3A_154 : i32
        %dma_start3A_156 = tpu.memref_slice %arg5[%mul3A_155] : memref<25600xi32, #tpu.memory_space<vmem>> -> memref<400xi32, #tpu.memory_space<vmem>>
        %dma_start3A_157 = arith.constant 0 : i32
        %dma_start3A_158 = arith.constant 0 : i32
        %dma_start3A_159 = tpu.memref_slice %arg2[%dma_start3A_157, %dma_start3A_158] : memref<1000000x64xf32, #tpu.memory_space<hbm>> -> memref<1000000x64xf32, #tpu.memory_space<hbm>>
        tpu.enqueue_indirect_dma source(%dma_start3A_159 : memref<1000000x64xf32, #tpu.memory_space<hbm>>) target(%arg7 : memref<400x64xf32, #tpu.memory_space<vmem>>) offsets(%dma_start3A_156 : memref<400xi32, #tpu.memory_space<vmem>>) semaphore(%arg11 : memref<!tpu.dma_semaphore, #tpu.memory_space<semaphore_mem>>)
      } else {
      }
      %mul3A_136 = arith.constant 400 : i32
      %mul3A_137 = arith.muli %add3A_123, %mul3A_136 : i32
      %dma_wait3A_138 = tpu.memref_slice %arg5[%mul3A_137] : memref<25600xi32, #tpu.memory_space<vmem>> -> memref<400xi32, #tpu.memory_space<vmem>>
      %dma_wait3A_139 = arith.constant 0 : i32
      %dma_wait3A_140 = arith.constant 0 : i32
      %dma_wait3A_141 = tpu.memref_slice %arg2[%dma_wait3A_139, %dma_wait3A_140] : memref<1000000x64xf32, #tpu.memory_space<hbm>> -> memref<1000000x64xf32, #tpu.memory_space<hbm>>
      tpu.wait_indirect_dma semaphore(%arg13 : memref<!tpu.dma_semaphore, #tpu.memory_space<semaphore_mem>>) src(%dma_wait3A_141 : memref<1000000x64xf32, #tpu.memory_space<hbm>>) dst(%arg9 : memref<400x64xf32, #tpu.memory_space<vmem>>)
      %parallel_loop3A_142 = arith.constant 0 : i32
      %parallel_loop3A_143 = arith.constant 400 : i32
      %parallel_loop3A_144 = arith.constant 1 : i32
      scf.for %parallel_loop3A_152 = %parallel_loop3A_142 to %parallel_loop3A_143 step %parallel_loop3A_144  : i32 {
        %parallel_loop3A_153 = arith.index_cast %parallel_loop3A_152 : i32 to index
        %parallel_loop3A_154 = arith.constant 0 : index
        %parallel_loop3A_155 = tpu.vector_load %arg9[%parallel_loop3A_153, %parallel_loop3A_154] {strides = array<i32>} : memref<400x64xf32, #tpu.memory_space<vmem>>, vector<1x16xf32>,
        %parallel_loop3A_156 = vector.shape_cast %parallel_loop3A_155 : vector<1x16xf32> to vector<16xf32>
        %parallel_loop3A_157 = arith.constant 8.000000e+00 : f32
        %parallel_loop3A_158 = vector.broadcast %parallel_loop3A_157 : f32 to vector<16xf32>
        %parallel_loop3A_159 = arith.mulf %parallel_loop3A_156, %parallel_loop3A_158 : vector<16xf32>
        %parallel_loop3A_160 = arith.index_cast %parallel_loop3A_152 : i32 to index
        %parallel_loop3A_161 = arith.constant 0 : index
        %parallel_loop3A_162 = tpu.vector_load %arg9[%parallel_loop3A_160, %parallel_loop3A_161] {strides = array<i32>} : memref<400x64xf32, #tpu.memory_space<vmem>>, vector<1x16xf32>,
        %parallel_loop3A_163 = vector.shape_cast %parallel_loop3A_162 : vector<1x16xf32> to vector<16xf32>
        %parallel_loop3A_164 = vector.shape_cast %parallel_loop3A_159 : vector<16xf32> to vector<1x16xf32>
        tpu.vector_store %arg9[%parallel_loop3A_160, %parallel_loop3A_161], %parallel_loop3A_164 {strides = array<i32>} : memref<400x64xf32, #tpu.memory_space<vmem>>, vector<1x16xf32>,
        %parallel_loop3A_165 = arith.index_cast %parallel_loop3A_152 : i32 to index
        %parallel_loop3A_166 = arith.constant 16 : index
        %parallel_loop3A_167 = tpu.vector_load %arg9[%parallel_loop3A_165, %parallel_loop3A_166] {strides = array<i32>} : memref<400x64xf32, #tpu.memory_space<vmem>>, vector<1x16xf32>,
        %parallel_loop3A_168 = vector.shape_cast %parallel_loop3A_167 : vector<1x16xf32> to vector<16xf32>
        %parallel_loop3A_169 = arith.constant 8.000000e+00 : f32
        %parallel_loop3A_170 = vector.broadcast %parallel_loop3A_169 : f32 to vector<16xf32>
        %parallel_loop3A_171 = arith.mulf %parallel_loop3A_168, %parallel_loop3A_170 : vector<16xf32>
        %parallel_loop3A_172 = arith.index_cast %parallel_loop3A_152 : i32 to index
        %parallel_loop3A_173 = arith.constant 16 : index
        %parallel_loop3A_174 = tpu.vector_load %arg9[%parallel_loop3A_172, %parallel_loop3A_173] {strides = array<i32>} : memref<400x64xf32, #tpu.memory_space<vmem>>, vector<1x16xf32>,
        %parallel_loop3A_175 = vector.shape_cast %parallel_loop3A_174 : vector<1x16xf32> to vector<16xf32>
        %parallel_loop3A_176 = vector.shape_cast %parallel_loop3A_171 : vector<16xf32> to vector<1x16xf32>
        tpu.vector_store %arg9[%parallel_loop3A_172, %parallel_loop3A_173], %parallel_loop3A_176 {strides = array<i32>} : memref<400x64xf32, #tpu.memory_space<vmem>>, vector<1x16xf32>,
        %parallel_loop3A_177 = arith.index_cast %parallel_loop3A_152 : i32 to index
        %parallel_loop3A_178 = arith.constant 32 : index
        %parallel_loop3A_179 = tpu.vector_load %arg9[%parallel_loop3A_177, %parallel_loop3A_178] {strides = array<i32>} : memref<400x64xf32, #tpu.memory_space<vmem>>, vector<1x16xf32>,
        %parallel_loop3A_180 = vector.shape_cast %parallel_loop3A_179 : vector<1x16xf32> to vector<16xf32>
        %parallel_loop3A_181 = arith.constant 8.000000e+00 : f32
        %parallel_loop3A_182 = vector.broadcast %parallel_loop3A_181 : f32 to vector<16xf32>
        %parallel_loop3A_183 = arith.mulf %parallel_loop3A_180, %parallel_loop3A_182 : vector<16xf32>
        %parallel_loop3A_184 = arith.index_cast %parallel_loop3A_152 : i32 to index
        %parallel_loop3A_185 = arith.constant 32 : index
        %parallel_loop3A_186 = tpu.vector_load %arg9[%parallel_loop3A_184, %parallel_loop3A_185] {strides = array<i32>} : memref<400x64xf32, #tpu.memory_space<vmem>>, vector<1x16xf32>,
        %parallel_loop3A_187 = vector.shape_cast %parallel_loop3A_186 : vector<1x16xf32> to vector<16xf32>
        %parallel_loop3A_188 = vector.shape_cast %parallel_loop3A_183 : vector<16xf32> to vector<1x16xf32>
        tpu.vector_store %arg9[%parallel_loop3A_184, %parallel_loop3A_185], %parallel_loop3A_188 {strides = array<i32>} : memref<400x64xf32, #tpu.memory_space<vmem>>, vector<1x16xf32>,
        %parallel_loop3A_189 = arith.index_cast %parallel_loop3A_152 : i32 to index
        %parallel_loop3A_190 = arith.constant 48 : index
        %parallel_loop3A_191 = tpu.vector_load %arg9[%parallel_loop3A_189, %parallel_loop3A_190] {strides = array<i32>} : memref<400x64xf32, #tpu.memory_space<vmem>>, vector<1x16xf32>,
        %parallel_loop3A_192 = vector.shape_cast %parallel_loop3A_191 : vector<1x16xf32> to vector<16xf32>
        %parallel_loop3A_193 = arith.constant 8.000000e+00 : f32
        %parallel_loop3A_194 = vector.broadcast %parallel_loop3A_193 : f32 to vector<16xf32>
        %parallel_loop3A_195 = arith.mulf %parallel_loop3A_192, %parallel_loop3A_194 : vector<16xf32>
        %parallel_loop3A_196 = arith.index_cast %parallel_loop3A_152 : i32 to index
        %parallel_loop3A_197 = arith.constant 48 : index
        %parallel_loop3A_198 = tpu.vector_load %arg9[%parallel_loop3A_196, %parallel_loop3A_197] {strides = array<i32>} : memref<400x64xf32, #tpu.memory_space<vmem>>, vector<1x16xf32>,
        %parallel_loop3A_199 = vector.shape_cast %parallel_loop3A_198 : vector<1x16xf32> to vector<16xf32>
        %parallel_loop3A_200 = vector.shape_cast %parallel_loop3A_195 : vector<16xf32> to vector<1x16xf32>
        tpu.vector_store %arg9[%parallel_loop3A_196, %parallel_loop3A_197], %parallel_loop3A_200 {strides = array<i32>} : memref<400x64xf32, #tpu.memory_space<vmem>>, vector<1x16xf32>,
      } {sc.loop_unroll_factor = 4 : i64, sc.parallel_access}
      %mul3A_145 = arith.constant 400 : i32
      %mul3A_146 = arith.muli %add3A_123, %mul3A_145 : i32
      %add3A_147 = arith.addi %mul3A_2, %mul3A_146 : i32
      %dma_start3A_148 = arith.constant 0 : i32
      %dma_start3A_149 = tpu.memref_slice %arg4[%add3A_147, %dma_start3A_148] : memref<819200x64xf32, #tpu.memory_space<hbm>> -> memref<400x64xf32, #tpu.memory_space<hbm>>
      %dma_start3A_150 = arith.constant 0 : i32
      %dma_start3A_151 = tpu.memref_slice %arg4[%add3A_147, %dma_start3A_150] : memref<819200x64xf32, #tpu.memory_space<hbm>> -> memref<400x64xf32, #tpu.memory_space<hbm>>
      tpu.enqueue_dma source(%arg9 : memref<400x64xf32, #tpu.memory_space<vmem>>) target(%dma_start3A_151 : memref<400x64xf32, #tpu.memory_space<hbm>>) target_semaphore(%arg17 : memref<!tpu.dma_semaphore, #tpu.memory_space<semaphore_mem>>)
    }
    %scan3A_16 = arith.constant 16 : i32
    %add3A_17 = arith.constant 24800 : i32
    %add3A_18 = arith.addi %mul3A_2, %add3A_17 : i32
    %dma_wait3A = arith.constant 0 : i32
    %dma_wait3A_19 = tpu.memref_slice %arg4[%add3A_18, %dma_wait3A] : memref<819200x64xf32, #tpu.memory_space<hbm>> -> memref<400x64xf32, #tpu.memory_space<hbm>>
    %dma_wait3A_20 = arith.constant 0 : i32
    %dma_wait3A_21 = tpu.memref_slice %arg4[%add3A_18, %dma_wait3A_20] : memref<819200x64xf32, #tpu.memory_space<hbm>> -> memref<400x64xf32, #tpu.memory_space<hbm>>
    tpu.wait_dma2 semaphore(%arg16 : memref<!tpu.dma_semaphore, #tpu.memory_space<semaphore_mem>>) src(%arg8 : memref<400x64xf32, #tpu.memory_space<vmem>>) dst(%dma_wait3A_21 : memref<400x64xf32, #tpu.memory_space<hbm>>)
    %add3A_22 = arith.constant 25200 : i32
    %add3A_23 = arith.addi %mul3A_2, %add3A_22 : i32
    %dma_wait3A_24 = arith.constant 0 : i32
    %dma_wait3A_25 = tpu.memref_slice %arg4[%add3A_23, %dma_wait3A_24] : memref<819200x64xf32, #tpu.memory_space<hbm>> -> memref<400x64xf32, #tpu.memory_space<hbm>>
    %dma_wait3A_26 = arith.constant 0 : i32
    %dma_wait3A_27 = tpu.memref_slice %arg4[%add3A_23, %dma_wait3A_26] : memref<819200x64xf32, #tpu.memory_space<hbm>> -> memref<400x64xf32, #tpu.memory_space<hbm>>
    tpu.wait_dma2 semaphore(%arg17 : memref<!tpu.dma_semaphore, #tpu.memory_space<semaphore_mem>>) src(%arg9 : memref<400x64xf32, #tpu.memory_space<vmem>>) dst(%dma_wait3A_27 : memref<400x64xf32, #tpu.memory_space<hbm>>)
    return
  }
}

</mosaic_0001>

<sc_bundles>
// kernel: _emb_call.3.cloned.1.call-start
scs
__scs_entry_jumppad:
0x0: {  	(pc) =	sbr.rel $0x88, $3  }
0x1: {  	(tag) =	ssettag $0x0;
	lr =	simm.s32 $0x1  }
0x2: {  	[smem:$0x3F9F] =	sst lr;
	_ =	strace $0xD0000000  }
0x3: {  	_ = 	snop  }
0x4: {  	_ = 	snop  }
0x5: {  	_ = 	snop  }
0x6: {  	_ = 	snop  }
0x7: {  	_ = 	snop  }
__scs_overlays_trampoline_lowered:
0x8: {  	[smem:$0x3FAE] =	sst s0  }
0x9: {  	[smem:$0x3FAF] =	sst s1  }
0xa: {  	[smem:$0x3FB0] =	sst s2  }
0xb: {  	[smem:$0x3FB1] =	sst s3  }
0xc: {  	[smem:$0x3FB2] =	sst s4  }
0xd: {  	[smem:$0x3FB3] =	sst s5  }
0xe: {  	[smem:$0x3FB4] =	sst s6  }
0xf: {  	[smem:$0x3FB5] =	sst s7  }
0x10: {  	[smem:$0x3FB6] =	sst s8  }
0x11: {  	[smem:$0x3FB7] =	sst s9;
	s0 =	simm.s32 @!p0 $0x0  }
0x12: {  	s1 =	sld [smem:$0x3F9D];
	s0 =	simm.s32 @p0 $0x1  }
0x13: {  	[smem:$0x3FB8] =	sst s0;
	s0 =	simm.s32 @!p1 $0x0  }
0x14: {  	s2 =	sld [smem:$0x3F9C];
	s0 =	simm.s32 @p1 $0x1  }
0x15: {  	[smem:$0x3FB9] =	sst s0;
	s0 =	simm.s32 @!p2 $0x0  }
0x16: {  	s3 =	sld [smem:$0x3FDB];
	s0 =	simm.s32 @p2 $0x1  }
0x17: {  	s4 =	simm.s32 $0x1BF5;
	[smem:$0x3FBB] =	sst s0  }
0x18: {  	s0 =	sld [smem:$0x3F9E];
	_ =	swait.ge [sflag:s4], $0x0  }
0x19: {  	s7 =	sld [smem:$0x3F9F]  }
0x1a: {  	s8 =	sadd.s32 $0xFFFFE003, lr  }
0x1b: {  	s9 =	sadd.s32 $0xFFFFFEF7, lr;
	s5 =	simm.s32 $0xFFFFFFFF;
	p2 =	slt.u32 s8, $0xFFFFF086  }
0x1c: {  	p1 =	slt.u32 s9, $0xF7A;
	s5 =	simm.s32 @!p2 $0x0  }
0x1d: {  	s5 =	simm.s32 @p1 $0x1;
	p0 =	seq.s32 s7, s2  }
0x1e: {  	s7 =	smul.u32 @!p0 $0xF7A, s2;
	p2 =	seq.s32 @!p0 s5, $0x0  }
0x1f: {  	s9 =	smul.u32 $0xF7A, s1;
	s8 =	simm.s32 @!p0 $0x1BF5;
	p2 =	por !p2, p0  }
0x20: {  	[sflag:s8] =	ssyncset.s32 @!p0 $0xFFFFF086;
	s6 =	sadd.s32 @!p0 s3, s7;
	s7 =	simm.s32 @!p0 $0x108  }
0x21: {  	s3 =	sadd.s32 s3, s9;
	s6 =	sadd.s32 @!p0 $0x88, s6;
	s7 =	simm.s32 @p2 $0x1082  }
0x22: {  	[simem:s7], [sflag:s8] =	dma.local @!p0 [hbm:s6], $0xF7A  }
0x23: {  	s9 =	sor.u32 $0xD0000000, s2;
	s6 =	simm.s32 $0x108;
	_ =	swait.ge @!p0 [sflag:s8], $0x0  }
0x24: {  	s3 =	sadd.s32 $0x88, s3;
	s6 =	simm.s32 @!p1 $0x1082;
	[sflag:s4] =	ssyncset.s32 $0xFFFFF086  }
0x25: {  	[simem:s6], [sflag:s4] =	dma.local [hbm:s3], $0xF7A  }
0x26: {  	[smem:$0x3F9F] =	sst s1;
	(tag) =	ssettag s2;
	_ =	strace s9  }
0x27: {  	s1 =	sld [smem:$0x3FAF]  }
0x28: {  	s2 =	sld [smem:$0x3FB0]  }
0x29: {  	s4 =	sld [smem:$0x3FB2]  }
0x2a: {  	p0 =	seq.s32 s5, $0x0;
	s5 =	sld [smem:$0x3FB3]  }
0x2b: {  	s6 =	sld [smem:$0x3FB4]  }
0x2c: {  	s7 =	sld [smem:$0x3FB5]  }
0x2d: {  	s3 =	simm.s32 $0x108;
	s8 =	sld [smem:$0x3FB6]  }
0x2e: {  	s3 =	simm.s32 @!p0 $0x1082;
	s9 =	sld [smem:$0x3FB7]  }
0x2f: {  	lr =	sadd.s32 s0, s3;
	s0 =	sld [smem:$0x3FAE]  }
0x30: {  	s3 =	sld [smem:$0x3FB1]  }
0x31: {  	[smem:$0x3FBA] =	sst s10  }
0x32: {  	s10 =	sld [smem:$0x3FB8];
	_ =	sdelay $0x3  }
0x33: {  	p0 =	seq.s32 s10, $0x1;
	s10 =	sld [smem:$0x3FBA];
	_ =	sdelay $0x3  }
0x34: {  	[smem:$0x3FBA] =	sst s10  }
0x35: {  	s10 =	sld [smem:$0x3FB9];
	_ =	sdelay $0x3  }
0x36: {  	p1 =	seq.s32 s10, $0x1;
	s10 =	sld [smem:$0x3FBA];
	_ =	sdelay $0x3  }
0x37: {  	[smem:$0x3FBA] =	sst s10  }
0x38: {  	s10 =	sld [smem:$0x3FBB]  }
0x39: {  	_ = 	snop;
	(pc) =	sbr.ind lr, $3  }
0x3a: {  	_ = 	snop  }
0x3b: {  	_ = 	snop  }
0x3c: {  	p2 =	seq.s32 s10, $0x1;
	s10 =	sld [smem:$0x3FBA]  }
0x3d: {  	_ =	shalt  }
0x3e: {  	_ =	shalt  }
0x3f: {  	_ =	shalt  }
0x40: {  	_ =	shalt  }
0x41: {  	_ =	shalt  }
0x42: {  	_ =	shalt  }
0x43: {  	_ =	shalt  }
0x44: {  	_ =	shalt  }
0x45: {  	_ =	shalt  }
0x46: {  	_ =	shalt  }
0x47: {  	_ =	shalt  }
0x48: {  	_ =	shalt  }
0x49: {  	_ =	shalt  }
0x4a: {  	_ =	shalt  }
0x4b: {  	_ =	shalt  }
0x4c: {  	_ =	shalt  }
0x4d: {  	_ =	shalt  }
0x4e: {  	_ =	shalt  }
0x4f: {  	_ =	shalt  }
0x50: {  	_ =	shalt  }
0x51: {  	_ =	shalt  }
0x52: {  	_ =	shalt  }
0x53: {  	_ =	shalt  }
0x54: {  	_ =	shalt  }
0x55: {  	_ =	shalt  }
0x56: {  	_ =	shalt  }
0x57: {  	_ =	shalt  }
0x58: {  	_ =	shalt  }
0x59: {  	_ =	shalt  }
0x5a: {  	_ =	shalt  }
0x5b: {  	_ =	shalt  }
0x5c: {  	_ =	shalt  }
0x5d: {  	_ =	shalt  }
0x5e: {  	_ =	shalt  }
0x5f: {  	_ =	shalt  }
0x60: {  	_ =	shalt  }
0x61: {  	_ =	shalt  }
0x62: {  	_ =	shalt  }
0x63: {  	_ =	shalt  }
0x64: {  	_ =	shalt  }
0x65: {  	_ =	shalt  }
0x66: {  	_ =	shalt  }
0x67: {  	_ =	shalt  }
0x68: {  	_ =	shalt  }
0x69: {  	_ =	shalt  }
0x6a: {  	_ =	shalt  }
0x6b: {  	_ =	shalt  }
0x6c: {  	_ =	shalt  }
0x6d: {  	_ =	shalt  }
0x6e: {  	_ =	shalt  }
0x6f: {  	_ =	shalt  }
0x70: {  	_ =	shalt  }
0x71: {  	_ =	shalt  }
0x72: {  	_ =	shalt  }
0x73: {  	_ =	shalt  }
0x74: {  	_ =	shalt  }
0x75: {  	_ =	shalt  }
0x76: {  	_ =	shalt  }
0x77: {  	_ =	shalt  }
0x78: {  	_ =	shalt  }
0x79: {  	_ =	shalt  }
0x7a: {  	_ =	shalt  }
0x7b: {  	_ =	shalt  }
0x7c: {  	_ =	shalt  }
0x7d: {  	_ =	shalt  }
0x7e: {  	_ =	shalt  }
0x7f: {  	_ =	shalt  }
0x80: {  	_ =	shalt  }
0x81: {  	_ =	shalt  }
0x82: {  	_ =	shalt  }
0x83: {  	_ =	shalt  }
0x84: {  	_ =	shalt  }
0x85: {  	_ =	shalt  }
0x86: {  	_ =	shalt  }
0x87: {  	_ =	shalt  }
.Lfunc_end0:
.L_simem_size_0:
called_computation.1_lowered:
.L_overlay_start_0:
0x88: {  	s2 =	sld [smem:$0x3FD9]  }
0x89: {  	s3 =	sld [smem:$0x3FFE];
	_ =	sdelay $0x1  }
0x8a: {  	s1 =	srdreg.scid  }
0x8b: {  	s0 =	sand.u32 $0x1, s1  }
0x8c: {  	s17 =	sshll.u32 s0, $0xA;
	s2 =	sadd.s32 s3, s2  }
0x8d: {  	s2 =	sadd.s32 s2, s17  }
0x8e: {  	[smem:$0x3FC6] =	sst s2  }
0x8f: {  	_ = 	snop  }
0x90: {  	s2 =	sld [smem:$0x3FC9]  }
0x91: {  	s18 =	sld [smem:$0x3FD0];
	(tm) =	ssettm $0x1  }
0x92: {  	s4 =	sld [smem:$0x3FFB];
	_ =	sdelay $0x3  }
0x93: {  	_ =	strace s4  }
0x94: {  	s4 =	sld [smem:$0x3FFC];
	_ =	sdelay $0x3  }
0x95: {  	_ =	strace s4  }
0x96: {  	s4 =	sld [smem:$0x3FFD];
	_ =	sdelay $0x3  }
0x97: {  	_ =	strace s4  }
0x98: {  	_ =	strace $0x8FFFFFFF  }
0x99: {  	s19 =	sld [smem:$0x3FDB];
	_ =	sdelay $0x1  }
0x9a: {  	s5 =	simm.s32 $_scs_section_size  }
0x9b: {  	s6 =	simm.s32 $_size__tile_overlayer_lowered;
	s7 =	simm.s32 $_tile_overlayer_lowered  }
0x9c: {  	s22 =	simm.s32 $0x1BFF;
	s21 =	sshll.u32 s7, $0x1;
	s4 =	sadd.s32 s5, s19  }
0x9d: {  	s8 =	simm.s32 $0x0;
	s20 =	sshll.u32 s6, $0x1;
	s6 =	sadd.s32 s21, s4  }
0x9e: {  	[timem:s8], [sflag:s22] =	dma.local [hbm:s6], s20  }
0x9f: {  	_ =	swait.ge [sflag:s22], s20  }
0xa0: {  	s5 =	ssub.s32 $0x0, s20;
	[sflag:s22] =	ssyncset.done $0x0  }
0xa1: {  	[sflag:s22] =	ssyncadd.s32 s5;
	_ =	sdelay $0x1  }
0xa2: {  	s23 =	simm.s32 $0x1B8B  }
0xa3: {  	_ =	swait.ge [sflag:s23], $0x1  }
0xa4: {  	[sflag:s23] =	ssyncset.done $0x0  }
0xa5: {  	s25 =	simm.s32 $0x1B8E;
	s24 =	sld [smem:$0x3FFE];
	[sflag:s23] =	ssyncadd.s32 $0xFFFFFFFF  }
0xa6: {  	s26 =	simm.s32 $execute0_lowered;
	[smem:$0x3FD2] =	sst s25  }
0xa7: {  	s6 =	sshll.u32 s26, $0x1;
	_ =	strace $0x80000046;
	[dreg:$0x1] =	wrdreg $0xFFFFFFFF  }
0xa8: {  	s28 =	simm.s32 $_size_execute0_lowered;
	s4 =	sadd.s32 s4, s6;
	[dreg:$0x0] =	wrdreg $0x0  }
0xa9: {  	s6 =	sshll.u32 s28, $0x1;
	[dreg:$0x2] =	wrdreg s4  }
0xaa: {  	[dreg:$0x3] =	wrdreg s6  }
0xab: {  	[dreg:$0x4] =	wrdreg $0xC0  }
0xac: {  	_ =	task [dreg:s8], $0x5FFFF  }
0xad: {  	[dreg:$0x1] =	wrdreg $0xFFFFFFFF  }
0xae: {  	[dreg:$0x0] =	wrdreg $0x60  }
0xaf: {  	[dreg:$0x2] =	wrdreg s24  }
0xb0: {  	[dreg:$0x3] =	wrdreg s2  }
0xb1: {  	[dreg:$0x4] =	wrdreg s18  }
0xb2: {  	[dreg:$0x5] =	wrdreg $0x9  }
0xb3: {  	_ =	task.clear_ibuf [dreg:s8], $0x6FFFF;
	_ =	strace $0x90000046  }
0xb4: {  	s29 =	simm.s32 $0x9;
	_ =	strace $0x80000048  }
0xb5: {  	_ =	swait.ge [sflag:s29], $0x1  }
0xb6: {  	[sflag:s29] =	ssyncadd.s32 $0xFFFFFFFF  }
0xb7: {  	_ =	strace $0x90000048  }
0xb8: {  	_ =	sfence  }
0xb9: {  	s30 =	sld [smem:$0x0];
	_ =	sdelay $0x2  }
0xba: {  	s31 =	sshll.u32 s1, $0xD;
	s1 =	sshrl.u32 s1, $0x2  }
0xbb: {  	s3 =	sand.u32 $0x4000, s31;
	s1 =	sadd.s32 s1, s30  }
0xbc: {  	s0 =	sor.u32 s3, s0;
	s1 =	sshll.u32 s1, $0x11  }
0xbd: {  	s0 =	sor.u32 s1, s0  }
0xbe: {  	s0 =	sadd.s32 $0x8F2B, s0  }
0xbf: {  	[sflag:s0] =	ssyncadd.remote.s32 $0x1  }
0xc0: {  	_ =	sfence.sel $0xFFFF  }
0xc1: {  	[dreg:$0x0] =	wrdreg $0xFFFFFFFF;
	(pc) =	sbr.abs _section_cstart, $3  }
0xc2: {  	[dreg:$0x1] =	wrdreg $0xFFFFFFFF  }
0xc3: {  	_ =	task.clear_ibuf [dreg:s8], $0x2FFFF;
	_ =	strace $0x9FFFFFFF  }
0xc4: {  	(tm) =	ssettm $0x7FFFFFFF  }
0xc5: {  	_ =	shalt  }
tec
execute0_lowered:
.L_overlay_start_1:
0x0: {  	(tag) =	ssettag $0x1  }
0x1: {  	s5 =	rddreg [dreg:$0x0]  }
0x2: {  	s6 =	rddreg [dreg:$0x1];
	s1 =	srdreg.scid  }
0x3: {  	s0 =	stileid.u32;
	s2 =	rddreg [dreg:$0x2];
	s3 =	simm.s32 $0x0  }
0x4: {  	s9 =	simm.s32 $0x9;
	s10 =	simm.s32 $0x190;
	s11 =	simm.s32 $0x6400  }
0x5: {  	s12 =	simm.s32 $0xC800;
	s13 =	simm.s32 $0x12C00;
	s14 =	simm.s32 $0x1  }
0x6: {  	s15 =	simm.s32 $0x19000;
	s16 =	simm.s32 $0x2;
	s17 =	simm.s32 $0x5  }
0x7: {  	s18 =	simm.s32 $0x3;
	s19 =	simm.s32 $0x6;
	s20 =	simm.s32 $0x4  }
0x8: {  	s21 =	simm.s32 $0x7;
	s4 =	sand.u32 $0x1, s1;
	s7 =	sshll.u32 s0, $0x1  }
0x9: {  	s22 =	simm.s32 $0x8;
	s23 =	simm.s32 $0x0;
	s7 =	sor.u32 s4, s7  }
0xa: {  	s1 =	rddreg [dreg:$0x3];
	s8 =	ssub.s32 $0x2, s4;
	s4 =	smul.u32 $0x6400, s7  }
0xb: {  	[smem:$0x7FF] =	sst s3;
	s5 =	sadd.s32 $0xF42C00, s5;
	s30 =	sshrl.u32 s8, $0x1  }
0xc: {  	_ =	strace $0x80000047;
	s8 =	ssub.s32 s8, s30;
	s31 =	sshrl.u32 s4, $0x3  }
0xd: {  	s7 =	sor.u32 $0x190, s4;
	s8 =	smax.u32 s8, $0x1;
	s6 =	sadd.s32 s6, s31  }
.LBB2_1:
0xe: {  	[tilespmem:s3], [sflag:$0x9] =	stream.linear.gather [hbm4b:s6+s3], $0x6400, $0x38;
	[tilespmem:$0x1F400] =	vst v63  }
0xf: {  	_ =	swait.ge [sflag:s9], $0x6400  }
0x10: {  	[sflag:s9] =	ssyncset.done $0x0  }
0x11: {  	[sflag:s9] =	ssyncadd.s32 $0xFFFF9C00  }
0x12: {  	[tilespmem:s11], [sflag:$0x1] =	stream.indirect.gather [hbm4b:s5+s10], $0x40, s3, s10, $0xb8;
	[tilespmem:$0x1F400] =	vst v63  }
0x13: {  	s24 =	simm.s32 $0x0  }
0x14: {  	[tilespmem:s12], [sflag:$0x2] =	stream.indirect.gather [hbm4b:s5+s10], $0x40, s10, s10, $0xb8;
	[tilespmem:$0x1F400] =	vst v63  }
.LBB2_2:
0x15: {  	s26 =	sshll.u32 s24, $0x2;
	p0 =	seq.s32 s24, $0x0  }
0x16: {  	s28 =	simm.s32 @!p0 $0x7;
	s25 =	sor.u32 $0x2, s26  }
0x17: {  	_ =	swait.ge @!p0 [sflag:s28], $0x6400;
	s29 =	smul.u32 $0x640, s25  }
0x18: {  	[sflag:s28] =	ssyncset.done @!p0 $0x0  }
0x19: {  	[sflag:s28] =	ssyncadd.s32 @!p0 $0xFFFF9C00;
	s28 =	sshra.s32 s29, $0x2  }
0x1a: {  	[tilespmem:s13], [sflag:$0x3] =	stream.indirect.gather [hbm4b:s5+s10], $0x40, s28, s10, $0xb8;
	[tilespmem:$0x1F400] =	vst v63  }
0x1b: {  	_ =	swait.ge [sflag:s14], $0x6400  }
0x1c: {  	[sflag:s14] =	ssyncset.done $0x0  }
0x1d: {  	s29 =	simm.s32 $0x6480;
	[sflag:s14] =	ssyncadd.s32 $0xFFFF9C00  }
0x1e: {  	v0 =	vld [tilespmem:s29+$0x70]  }
0x1f: {  	v1 =	vld [tilespmem:s29+$0xFFFFFF90]  }
0x20: {  	v2 =	vld [tilespmem:s29+$0xFFFFFFA0]  }
0x21: {  	v3 =	vld [tilespmem:s29+$0xFFFFFFB0]  }
0x22: {  	v4 =	vld [tilespmem:s29+$0xFFFFFFC0]  }
0x23: {  	v5 =	vld [tilespmem:s29+$0xFFFFFFD0];
	v0 =	vmul.f32 $8.000000000e+00, v0  }
0x24: {  	v6 =	vld [tilespmem:s29+$0xFFFFFFE0];
	v1 =	vmul.f32 $8.000000000e+00, v1  }
0x25: {  	v7 =	vld [tilespmem:s29+$0xFFFFFFF0];
	v2 =	vmul.f32 $8.000000000e+00, v2;
	[tilespmem:s29+$0x70] =	vst v0  }
0x26: {  	[tilespmem:s29+$0xFFFFFF90] =	vst v1;
	v0 =	vmul.f32 $8.000000000e+00, v3;
	v3 =	vld [tilespmem:s29+$0x0]  }
0x27: {  	[tilespmem:s29+$0xFFFFFFA0] =	vst v2;
	v1 =	vmul.f32 $8.000000000e+00, v4;
	v4 =	vld [tilespmem:s29+$0x10]  }
0x28: {  	v8 =	vld [tilespmem:s29+$0x20];
	v2 =	vmul.f32 $8.000000000e+00, v5;
	[tilespmem:s29+$0xFFFFFFB0] =	vst v0  }
0x29: {  	v5 =	vmul.f32 $8.000000000e+00, v6;
	[tilespmem:s29+$0xFFFFFFC0] =	vst v1;
	v0 =	vld [tilespmem:s29+$0x30]  }
0x2a: {  	[tilespmem:s29+$0xFFFFFFD0] =	vst v2;
	v2 =	vmul.f32 $8.000000000e+00, v7;
	v1 =	vld [tilespmem:s29+$0x40]  }
0x2b: {  	[tilespmem:s29+$0xFFFFFFE0] =	vst v5;
	v6 =	vmul.f32 $8.000000000e+00, v3;
	v3 =	vld [tilespmem:s29+$0x50]  }
0x2c: {  	[tilespmem:s29+$0xFFFFFFF0] =	vst v2;
	v2 =	vld [tilespmem:s29+$0x60];
	v5 =	vmul.f32 $8.000000000e+00, v4  }
0x2d: {  	s30 =	simm.s32 $0x6580;
	s28 =	simm.s32 $0x0;
	v4 =	vld [tilespmem:s29+$0xFFFFFF80];
	[tilespmem:s29+$0x0] =	vst v6;
	v6 =	vmul.f32 $8.000000000e+00, v8  }
.LBB2_3:
0x2e: {  	v7 =	vld [tilespmem:s30+$0x70];
	s28 =	sadd.s32 $0x4, s28;
	[tilespmem:s29+$0x10] =	vst v5;
	v0 =	vmul.f32 $8.000000000e+00, v0  }
0x2f: {  	v5 =	vld [tilespmem:s30+$0xFFFFFF90];
	p1 =	slt.u32 s28, $0x18C;
	[tilespmem:s29+$0x20] =	vst v6;
	v1 =	vmul.f32 $8.000000000e+00, v1  }
0x30: {  	v6 =	vld [tilespmem:s30+$0xFFFFFFA0];
	[tilespmem:s29+$0x30] =	vst v0;
	v0 =	vmul.f32 $8.000000000e+00, v3  }
0x31: {  	v3 =	vld [tilespmem:s30+$0xFFFFFFB0];
	[tilespmem:s29+$0x40] =	vst v1;
	v1 =	vmul.f32 $8.000000000e+00, v2  }
0x32: {  	v2 =	vld [tilespmem:s30+$0xFFFFFFC0];
	v4 =	vmul.f32 $8.000000000e+00, v4;
	[tilespmem:s29+$0x50] =	vst v0  }
0x33: {  	v0 =	vld [tilespmem:s30+$0xFFFFFFD0];
	v7 =	vmul.f32 $8.000000000e+00, v7;
	[tilespmem:s29+$0x60] =	vst v1  }
0x34: {  	v1 =	vmul.f32 $8.000000000e+00, v5;
	v5 =	vld [tilespmem:s30+$0xFFFFFFE0];
	[tilespmem:s29+$0xFFFFFF80] =	vst v4;
	s29 =	smov.u32 s30  }
0x35: {  	v4 =	vmul.f32 $8.000000000e+00, v6;
	v6 =	vld [tilespmem:s30+$0xFFFFFFF0];
	[tilespmem:s30+$0x70] =	vst v7  }
0x36: {  	[tilespmem:s30+$0xFFFFFF90] =	vst v1;
	v1 =	vmul.f32 $8.000000000e+00, v3;
	v3 =	vld [tilespmem:s30+$0x0]  }
0x37: {  	[tilespmem:s30+$0xFFFFFFA0] =	vst v4;
	v2 =	vmul.f32 $8.000000000e+00, v2;
	v4 =	vld [tilespmem:s30+$0x10]  }
0x38: {  	[tilespmem:s30+$0xFFFFFFB0] =	vst v1;
	v1 =	vmul.f32 $8.000000000e+00, v0;
	v7 =	vld [tilespmem:s30+$0x20]  }
.Ltmp0:
0x39: {  	[tilespmem:s30+$0xFFFFFFC0] =	vst v2;
	v2 =	vmul.f32 $8.000000000e+00, v5;
	v0 =	vld [tilespmem:s30+$0x30];
	(pc) =	sbr.rel @p1 .LBB2_3-.Ltmp0, $4  }
0x3a: {  	[tilespmem:s30+$0xFFFFFFD0] =	vst v1;
	v5 =	vmul.f32 $8.000000000e+00, v6;
	v1 =	vld [tilespmem:s30+$0x40]  }
0x3b: {  	[tilespmem:s30+$0xFFFFFFE0] =	vst v2;
	v6 =	vmul.f32 $8.000000000e+00, v3;
	v3 =	vld [tilespmem:s30+$0x50]  }
0x3c: {  	[tilespmem:s30+$0xFFFFFFF0] =	vst v5;
	v5 =	vmul.f32 $8.000000000e+00, v4;
	v2 =	vld [tilespmem:s30+$0x60]  }
0x3d: {  	s30 =	sadd.s32 $0x100, s30;
	v4 =	vld [tilespmem:s29+$0xFFFFFF80];
	[tilespmem:s29+$0x0] =	vst v6;
	v6 =	vmul.f32 $8.000000000e+00, v7  }
0x3e: {  	[tilespmem:s29+$0x10] =	vst v5;
	v0 =	vmul.f32 $8.000000000e+00, v0  }
0x3f: {  	[tilespmem:s29+$0x20] =	vst v6;
	v1 =	vmul.f32 $8.000000000e+00, v1  }
0x40: {  	s28 =	smul.u32 $0x640, s24;
	[tilespmem:s29+$0x30] =	vst v0;
	v0 =	vmul.f32 $8.000000000e+00, v3  }
0x41: {  	[tilespmem:s29+$0x40] =	vst v1;
	v1 =	vmul.f32 $8.000000000e+00, v2  }
0x42: {  	s30 =	sadd.s32 s4, s28;
	v2 =	vmul.f32 $8.000000000e+00, v4;
	[tilespmem:s29+$0x50] =	vst v0  }
0x43: {  	s30 =	sshll.u32 s30, $0x3;
	[tilespmem:s29+$0x60] =	vst v1  }
0x44: {  	[tilespmem:s29+$0xFFFFFF80] =	vst v2;
	s29 =	sadd.s32 s2, s30  }
0x45: {  	[hbm4b:s29+s3] =	stream.linear.scatter [tilespmem:s11], [sflag:$0x5], $0x6400, $0x38;
	[tilespmem:$0x1F400] =	vst v63  }
0x46: {  	s26 =	sor.u32 $0x3, s26;
	s29 =	simm.s32 @!p0 $0x8  }
0x47: {  	s30 =	smul.u32 $0x640, s26;
	_ =	swait.ge @!p0 [sflag:s29], $0x6400  }
0x48: {  	[sflag:s29] =	ssyncset.done @!p0 $0x0  }
0x49: {  	[sflag:s29] =	ssyncadd.s32 @!p0 $0xFFFF9C00;
	s29 =	sshra.s32 s30, $0x2  }
0x4a: {  	[tilespmem:s15], [sflag:$0x4] =	stream.indirect.gather [hbm4b:s5+s10], $0x40, s29, s10, $0xb8;
	[tilespmem:$0x1F400] =	vst v63  }
0x4b: {  	_ =	swait.ge [sflag:s16], $0x6400  }
0x4c: {  	[sflag:s16] =	ssyncset.done $0x0  }
0x4d: {  	s29 =	simm.s32 $0xC880;
	[sflag:s16] =	ssyncadd.s32 $0xFFFF9C00  }
0x4e: {  	v0 =	vld [tilespmem:s29+$0x70]  }
0x4f: {  	v1 =	vld [tilespmem:s29+$0xFFFFFF90]  }
0x50: {  	v2 =	vld [tilespmem:s29+$0xFFFFFFA0]  }
0x51: {  	v3 =	vld [tilespmem:s29+$0xFFFFFFB0]  }
0x52: {  	v4 =	vld [tilespmem:s29+$0xFFFFFFC0]  }
0x53: {  	v5 =	vld [tilespmem:s29+$0xFFFFFFD0];
	v0 =	vmul.f32 $8.000000000e+00, v0  }
0x54: {  	v6 =	vld [tilespmem:s29+$0xFFFFFFE0];
	v1 =	vmul.f32 $8.000000000e+00, v1  }
0x55: {  	v7 =	vld [tilespmem:s29+$0xFFFFFFF0];
	v2 =	vmul.f32 $8.000000000e+00, v2;
	[tilespmem:s29+$0x70] =	vst v0  }
0x56: {  	[tilespmem:s29+$0xFFFFFF90] =	vst v1;
	v0 =	vmul.f32 $8.000000000e+00, v3;
	v3 =	vld [tilespmem:s29+$0x0]  }
0x57: {  	[tilespmem:s29+$0xFFFFFFA0] =	vst v2;
	v1 =	vmul.f32 $8.000000000e+00, v4;
	v4 =	vld [tilespmem:s29+$0x10]  }
0x58: {  	v8 =	vld [tilespmem:s29+$0x20];
	v2 =	vmul.f32 $8.000000000e+00, v5;
	[tilespmem:s29+$0xFFFFFFB0] =	vst v0  }
0x59: {  	v5 =	vmul.f32 $8.000000000e+00, v6;
	[tilespmem:s29+$0xFFFFFFC0] =	vst v1;
	v0 =	vld [tilespmem:s29+$0x30]  }
0x5a: {  	v6 =	vmul.f32 $8.000000000e+00, v7;
	[tilespmem:s29+$0xFFFFFFD0] =	vst v2;
	v1 =	vld [tilespmem:s29+$0x40]  }
0x5b: {  	[tilespmem:s29+$0xFFFFFFE0] =	vst v5;
	v2 =	vld [tilespmem:s29+$0x50];
	v7 =	vmul.f32 $8.000000000e+00, v3  }
0x5c: {  	[tilespmem:s29+$0xFFFFFFF0] =	vst v6;
	v3 =	vld [tilespmem:s29+$0x60];
	v5 =	vmul.f32 $8.000000000e+00, v4  }
0x5d: {  	s31 =	simm.s32 $0xC980;
	s30 =	simm.s32 $0x0;
	v6 =	vmul.f32 $8.000000000e+00, v8;
	v4 =	vld [tilespmem:s29+$0xFFFFFF80];
	[tilespmem:s29+$0x0] =	vst v7  }
.LBB2_5:
0x5e: {  	v7 =	vld [tilespmem:s31+$0x70];
	s30 =	sadd.s32 $0x4, s30;
	[tilespmem:s29+$0x10] =	vst v5;
	v0 =	vmul.f32 $8.000000000e+00, v0  }
0x5f: {  	v5 =	vld [tilespmem:s31+$0xFFFFFF90];
	p0 =	slt.u32 s30, $0x18C;
	[tilespmem:s29+$0x20] =	vst v6;
	v1 =	vmul.f32 $8.000000000e+00, v1  }
0x60: {  	v6 =	vld [tilespmem:s31+$0xFFFFFFA0];
	[tilespmem:s29+$0x30] =	vst v0;
	v0 =	vmul.f32 $8.000000000e+00, v2  }
0x61: {  	v2 =	vld [tilespmem:s31+$0xFFFFFFB0];
	[tilespmem:s29+$0x40] =	vst v1;
	v1 =	vmul.f32 $8.000000000e+00, v3  }
0x62: {  	v3 =	vld [tilespmem:s31+$0xFFFFFFC0];
	v4 =	vmul.f32 $8.000000000e+00, v4;
	[tilespmem:s29+$0x50] =	vst v0  }
0x63: {  	v0 =	vld [tilespmem:s31+$0xFFFFFFD0];
	v7 =	vmul.f32 $8.000000000e+00, v7;
	[tilespmem:s29+$0x60] =	vst v1  }
0x64: {  	v1 =	vmul.f32 $8.000000000e+00, v5;
	v5 =	vld [tilespmem:s31+$0xFFFFFFE0];
	[tilespmem:s29+$0xFFFFFF80] =	vst v4;
	s29 =	smov.u32 s31  }
0x65: {  	v4 =	vmul.f32 $8.000000000e+00, v6;
	v6 =	vld [tilespmem:s31+$0xFFFFFFF0];
	[tilespmem:s31+$0x70] =	vst v7  }
0x66: {  	[tilespmem:s31+$0xFFFFFF90] =	vst v1;
	v1 =	vmul.f32 $8.000000000e+00, v2;
	v2 =	vld [tilespmem:s31+$0x0]  }
0x67: {  	[tilespmem:s31+$0xFFFFFFA0] =	vst v4;
	v3 =	vmul.f32 $8.000000000e+00, v3;
	v4 =	vld [tilespmem:s31+$0x10]  }
0x68: {  	[tilespmem:s31+$0xFFFFFFB0] =	vst v1;
	v1 =	vmul.f32 $8.000000000e+00, v0;
	v7 =	vld [tilespmem:s31+$0x20]  }
.Ltmp1:
0x69: {  	[tilespmem:s31+$0xFFFFFFC0] =	vst v3;
	v3 =	vmul.f32 $8.000000000e+00, v5;
	v0 =	vld [tilespmem:s31+$0x30];
	(pc) =	sbr.rel @p0 .LBB2_5-.Ltmp1, $4  }
0x6a: {  	[tilespmem:s31+$0xFFFFFFD0] =	vst v1;
	v5 =	vmul.f32 $8.000000000e+00, v6;
	v1 =	vld [tilespmem:s31+$0x40]  }
0x6b: {  	[tilespmem:s31+$0xFFFFFFE0] =	vst v3;
	v6 =	vmul.f32 $8.000000000e+00, v2;
	v2 =	vld [tilespmem:s31+$0x50]  }
0x6c: {  	[tilespmem:s31+$0xFFFFFFF0] =	vst v5;
	v5 =	vmul.f32 $8.000000000e+00, v4;
	v3 =	vld [tilespmem:s31+$0x60]  }
0x6d: {  	s31 =	sadd.s32 $0x100, s31;
	v4 =	vld [tilespmem:s29+$0xFFFFFF80];
	[tilespmem:s29+$0x0] =	vst v6;
	v6 =	vmul.f32 $8.000000000e+00, v7  }
0x6e: {  	[tilespmem:s29+$0x10] =	vst v5;
	v0 =	vmul.f32 $8.000000000e+00, v0  }
0x6f: {  	[tilespmem:s29+$0x20] =	vst v6;
	v1 =	vmul.f32 $8.000000000e+00, v1  }
0x70: {  	[tilespmem:s29+$0x30] =	vst v0;
	v0 =	vmul.f32 $8.000000000e+00, v2  }
0x71: {  	s28 =	sadd.s32 s28, s7;
	[tilespmem:s29+$0x40] =	vst v1;
	v1 =	vmul.f32 $8.000000000e+00, v3  }
0x72: {  	s28 =	sshll.u32 s28, $0x3;
	v2 =	vmul.f32 $8.000000000e+00, v4;
	[tilespmem:s29+$0x50] =	vst v0  }
0x73: {  	s28 =	sand.u32 $0x1FFFFE80, s28;
	[tilespmem:s29+$0x60] =	vst v1  }
0x74: {  	p0 =	seq.s32 s24, $0xF;
	s28 =	sadd.s32 s2, s28;
	[tilespmem:s29+$0xFFFFFF80] =	vst v2  }
0x75: {  	[hbm4b:s28+s3] =	stream.linear.scatter [tilespmem:s12], [sflag:$0x6], $0x6400, $0x38;
	[tilespmem:$0x1F400] =	vst v63  }
0x76: {  	s28 =	smul.u32 @!p0 $0x1900, s24  }
0x77: {  	_ =	swait.ge [sflag:s17], $0x6400  }
0x78: {  	s30 =	simm.s32 @!p0 $0x190;
	[sflag:s17] =	ssyncset.done $0x0;
	s28 =	sshra.s32 @!p0 s28, $0x2  }
0x79: {  	s31 =	simm.s32 @!p0 $0x6400;
	[sflag:s17] =	ssyncadd.s32 $0xFFFF9C00;
	s29 =	sadd.s32 @!p0 $0x640, s28  }
0x7a: {  	[tilespmem:s31], [sflag:$0x1] =	stream.indirect.gather @!p0 [hbm4b:s5+s30], $0x40, s29, s30, $0xb8;
	[tilespmem:$0x1F400] =	vst v63  }
0x7b: {  	_ =	swait.ge [sflag:s18], $0x6400  }
0x7c: {  	[sflag:s18] =	ssyncset.done $0x0  }
0x7d: {  	s29 =	simm.s32 $0x12C80;
	[sflag:s18] =	ssyncadd.s32 $0xFFFF9C00  }
0x7e: {  	v0 =	vld [tilespmem:s29+$0x70]  }
0x7f: {  	v1 =	vld [tilespmem:s29+$0xFFFFFF90]  }
0x80: {  	v2 =	vld [tilespmem:s29+$0xFFFFFFA0]  }
0x81: {  	v3 =	vld [tilespmem:s29+$0xFFFFFFB0]  }
0x82: {  	v4 =	vld [tilespmem:s29+$0xFFFFFFC0]  }
0x83: {  	v5 =	vld [tilespmem:s29+$0xFFFFFFD0];
	v0 =	vmul.f32 $8.000000000e+00, v0  }
0x84: {  	v6 =	vld [tilespmem:s29+$0xFFFFFFE0];
	v1 =	vmul.f32 $8.000000000e+00, v1  }
0x85: {  	v7 =	vld [tilespmem:s29+$0xFFFFFFF0];
	v2 =	vmul.f32 $8.000000000e+00, v2;
	[tilespmem:s29+$0x70] =	vst v0  }
0x86: {  	[tilespmem:s29+$0xFFFFFF90] =	vst v1;
	v0 =	vmul.f32 $8.000000000e+00, v3;
	v3 =	vld [tilespmem:s29+$0x0]  }
0x87: {  	[tilespmem:s29+$0xFFFFFFA0] =	vst v2;
	v1 =	vmul.f32 $8.000000000e+00, v4;
	v4 =	vld [tilespmem:s29+$0x10]  }
0x88: {  	v8 =	vld [tilespmem:s29+$0x20];
	v2 =	vmul.f32 $8.000000000e+00, v5;
	[tilespmem:s29+$0xFFFFFFB0] =	vst v0  }
0x89: {  	v5 =	vmul.f32 $8.000000000e+00, v6;
	[tilespmem:s29+$0xFFFFFFC0] =	vst v1;
	v0 =	vld [tilespmem:s29+$0x30]  }
0x8a: {  	v6 =	vmul.f32 $8.000000000e+00, v7;
	[tilespmem:s29+$0xFFFFFFD0] =	vst v2;
	v1 =	vld [tilespmem:s29+$0x40]  }
0x8b: {  	[tilespmem:s29+$0xFFFFFFE0] =	vst v5;
	v2 =	vld [tilespmem:s29+$0x50];
	v7 =	vmul.f32 $8.000000000e+00, v3  }
0x8c: {  	[tilespmem:s29+$0xFFFFFFF0] =	vst v6;
	v3 =	vld [tilespmem:s29+$0x60];
	v5 =	vmul.f32 $8.000000000e+00, v4  }
0x8d: {  	s30 =	simm.s32 $0x0;
	s31 =	simm.s32 $0x12D80;
	v6 =	vmul.f32 $8.000000000e+00, v8;
	v4 =	vld [tilespmem:s29+$0xFFFFFF80];
	[tilespmem:s29+$0x0] =	vst v7  }
.LBB2_7:
0x8e: {  	v7 =	vld [tilespmem:s31+$0x70];
	s30 =	sadd.s32 $0x4, s30;
	[tilespmem:s29+$0x10] =	vst v5;
	v0 =	vmul.f32 $8.000000000e+00, v0  }
0x8f: {  	v5 =	vld [tilespmem:s31+$0xFFFFFF90];
	p1 =	slt.u32 s30, $0x18C;
	[tilespmem:s29+$0x20] =	vst v6;
	v1 =	vmul.f32 $8.000000000e+00, v1  }
0x90: {  	v6 =	vld [tilespmem:s31+$0xFFFFFFA0];
	[tilespmem:s29+$0x30] =	vst v0;
	v0 =	vmul.f32 $8.000000000e+00, v2  }
0x91: {  	v2 =	vld [tilespmem:s31+$0xFFFFFFB0];
	[tilespmem:s29+$0x40] =	vst v1;
	v1 =	vmul.f32 $8.000000000e+00, v3  }
0x92: {  	v3 =	vld [tilespmem:s31+$0xFFFFFFC0];
	v4 =	vmul.f32 $8.000000000e+00, v4;
	[tilespmem:s29+$0x50] =	vst v0  }
0x93: {  	v0 =	vld [tilespmem:s31+$0xFFFFFFD0];
	v7 =	vmul.f32 $8.000000000e+00, v7;
	[tilespmem:s29+$0x60] =	vst v1  }
0x94: {  	v1 =	vmul.f32 $8.000000000e+00, v5;
	v5 =	vld [tilespmem:s31+$0xFFFFFFE0];
	[tilespmem:s29+$0xFFFFFF80] =	vst v4;
	s29 =	smov.u32 s31  }
0x95: {  	v4 =	vmul.f32 $8.000000000e+00, v6;
	v6 =	vld [tilespmem:s31+$0xFFFFFFF0];
	[tilespmem:s31+$0x70] =	vst v7  }
0x96: {  	[tilespmem:s31+$0xFFFFFF90] =	vst v1;
	v1 =	vmul.f32 $8.000000000e+00, v2;
	v2 =	vld [tilespmem:s31+$0x0]  }
0x97: {  	[tilespmem:s31+$0xFFFFFFA0] =	vst v4;
	v3 =	vmul.f32 $8.000000000e+00, v3;
	v4 =	vld [tilespmem:s31+$0x10]  }
0x98: {  	[tilespmem:s31+$0xFFFFFFB0] =	vst v1;
	v1 =	vmul.f32 $8.000000000e+00, v0;
	v7 =	vld [tilespmem:s31+$0x20]  }
.Ltmp2:
0x99: {  	[tilespmem:s31+$0xFFFFFFC0] =	vst v3;
	v3 =	vmul.f32 $8.000000000e+00, v5;
	v0 =	vld [tilespmem:s31+$0x30];
	(pc) =	sbr.rel @p1 .LBB2_7-.Ltmp2, $4  }
0x9a: {  	[tilespmem:s31+$0xFFFFFFD0] =	vst v1;
	v5 =	vmul.f32 $8.000000000e+00, v6;
	v1 =	vld [tilespmem:s31+$0x40]  }
0x9b: {  	[tilespmem:s31+$0xFFFFFFE0] =	vst v3;
	v6 =	vmul.f32 $8.000000000e+00, v2;
	v2 =	vld [tilespmem:s31+$0x50]  }
0x9c: {  	[tilespmem:s31+$0xFFFFFFF0] =	vst v5;
	v5 =	vmul.f32 $8.000000000e+00, v4;
	v3 =	vld [tilespmem:s31+$0x60]  }
0x9d: {  	s31 =	sadd.s32 $0x100, s31;
	v4 =	vld [tilespmem:s29+$0xFFFFFF80];
	[tilespmem:s29+$0x0] =	vst v6;
	v6 =	vmul.f32 $8.000000000e+00, v7  }
0x9e: {  	[tilespmem:s29+$0x10] =	vst v5;
	v0 =	vmul.f32 $8.000000000e+00, v0  }
0x9f: {  	s25 =	smul.u32 $0x190, s25;
	[tilespmem:s29+$0x20] =	vst v6;
	v1 =	vmul.f32 $8.000000000e+00, v1  }
0xa0: {  	[tilespmem:s29+$0x30] =	vst v0;
	v0 =	vmul.f32 $8.000000000e+00, v2  }
0xa1: {  	s25 =	sadd.s32 s4, s25;
	[tilespmem:s29+$0x40] =	vst v1;
	v1 =	vmul.f32 $8.000000000e+00, v3  }
0xa2: {  	s25 =	sshll.u32 s25, $0x3;
	v2 =	vmul.f32 $8.000000000e+00, v4;
	[tilespmem:s29+$0x50] =	vst v0  }
0xa3: {  	s25 =	sand.u32 $0x1FFFFF00, s25;
	[tilespmem:s29+$0x60] =	vst v1  }
0xa4: {  	s25 =	sadd.s32 s2, s25;
	[tilespmem:s29+$0xFFFFFF80] =	vst v2  }
0xa5: {  	[hbm4b:s25+s3] =	stream.linear.scatter [tilespmem:s13], [sflag:$0x7], $0x6400, $0x38;
	[tilespmem:$0x1F400] =	vst v63  }
0xa6: {  	_ =	swait.ge [sflag:s19], $0x6400  }
0xa7: {  	s29 =	simm.s32 @!p0 $0xC800;
	[sflag:s19] =	ssyncset.done $0x0  }
0xa8: {  	s25 =	sadd.s32 @!p0 $0x7D0, s28;
	s28 =	simm.s32 @!p0 $0x190;
	[sflag:s19] =	ssyncadd.s32 $0xFFFF9C00  }
0xa9: {  	[tilespmem:s29], [sflag:$0x2] =	stream.indirect.gather @!p0 [hbm4b:s5+s28], $0x40, s25, s28, $0xb8;
	[tilespmem:$0x1F400] =	vst v63  }
0xaa: {  	_ =	swait.ge [sflag:s20], $0x6400  }
0xab: {  	[sflag:s20] =	ssyncset.done $0x0  }
0xac: {  	s25 =	simm.s32 $0x19080;
	[sflag:s20] =	ssyncadd.s32 $0xFFFF9C00  }
0xad: {  	v0 =	vld [tilespmem:s25+$0x70]  }
0xae: {  	v1 =	vld [tilespmem:s25+$0xFFFFFF90]  }
0xaf: {  	v2 =	vld [tilespmem:s25+$0xFFFFFFA0]  }
0xb0: {  	v3 =	vld [tilespmem:s25+$0xFFFFFFB0]  }
0xb1: {  	v4 =	vld [tilespmem:s25+$0xFFFFFFC0]  }
0xb2: {  	v5 =	vld [tilespmem:s25+$0xFFFFFFD0];
	v0 =	vmul.f32 $8.000000000e+00, v0  }
0xb3: {  	v6 =	vld [tilespmem:s25+$0xFFFFFFE0];
	v1 =	vmul.f32 $8.000000000e+00, v1  }
0xb4: {  	v7 =	vld [tilespmem:s25+$0xFFFFFFF0];
	v2 =	vmul.f32 $8.000000000e+00, v2;
	[tilespmem:s25+$0x70] =	vst v0  }
0xb5: {  	[tilespmem:s25+$0xFFFFFF90] =	vst v1;
	v0 =	vmul.f32 $8.000000000e+00, v3;
	v3 =	vld [tilespmem:s25+$0x0]  }
0xb6: {  	[tilespmem:s25+$0xFFFFFFA0] =	vst v2;
	v1 =	vmul.f32 $8.000000000e+00, v4;
	v4 =	vld [tilespmem:s25+$0x10]  }
0xb7: {  	v8 =	vld [tilespmem:s25+$0x20];
	v2 =	vmul.f32 $8.000000000e+00, v5;
	[tilespmem:s25+$0xFFFFFFB0] =	vst v0  }
0xb8: {  	v5 =	vmul.f32 $8.000000000e+00, v6;
	[tilespmem:s25+$0xFFFFFFC0] =	vst v1;
	v0 =	vld [tilespmem:s25+$0x30]  }
0xb9: {  	v6 =	vmul.f32 $8.000000000e+00, v7;
	[tilespmem:s25+$0xFFFFFFD0] =	vst v2;
	v1 =	vld [tilespmem:s25+$0x40]  }
0xba: {  	[tilespmem:s25+$0xFFFFFFE0] =	vst v5;
	v2 =	vld [tilespmem:s25+$0x50];
	v7 =	vmul.f32 $8.000000000e+00, v3  }
0xbb: {  	[tilespmem:s25+$0xFFFFFFF0] =	vst v6;
	v3 =	vld [tilespmem:s25+$0x60];
	v5 =	vmul.f32 $8.000000000e+00, v4  }
0xbc: {  	s28 =	simm.s32 $0x0;
	s29 =	simm.s32 $0x19180;
	v6 =	vmul.f32 $8.000000000e+00, v8;
	v4 =	vld [tilespmem:s25+$0xFFFFFF80];
	[tilespmem:s25+$0x0] =	vst v7  }
.LBB2_9:
0xbd: {  	v7 =	vld [tilespmem:s29+$0x70];
	s28 =	sadd.s32 $0x4, s28;
	[tilespmem:s25+$0x10] =	vst v5;
	v0 =	vmul.f32 $8.000000000e+00, v0  }
0xbe: {  	v5 =	vld [tilespmem:s29+$0xFFFFFF90];
	p0 =	slt.u32 s28, $0x18C;
	[tilespmem:s25+$0x20] =	vst v6;
	v1 =	vmul.f32 $8.000000000e+00, v1  }
0xbf: {  	v6 =	vld [tilespmem:s29+$0xFFFFFFA0];
	[tilespmem:s25+$0x30] =	vst v0;
	v0 =	vmul.f32 $8.000000000e+00, v2  }
0xc0: {  	v2 =	vld [tilespmem:s29+$0xFFFFFFB0];
	[tilespmem:s25+$0x40] =	vst v1;
	v1 =	vmul.f32 $8.000000000e+00, v3  }
0xc1: {  	v3 =	vld [tilespmem:s29+$0xFFFFFFC0];
	v4 =	vmul.f32 $8.000000000e+00, v4;
	[tilespmem:s25+$0x50] =	vst v0  }
0xc2: {  	v0 =	vld [tilespmem:s29+$0xFFFFFFD0];
	v7 =	vmul.f32 $8.000000000e+00, v7;
	[tilespmem:s25+$0x60] =	vst v1  }
0xc3: {  	v1 =	vmul.f32 $8.000000000e+00, v5;
	v5 =	vld [tilespmem:s29+$0xFFFFFFE0];
	[tilespmem:s25+$0xFFFFFF80] =	vst v4;
	s25 =	smov.u32 s29  }
0xc4: {  	v4 =	vmul.f32 $8.000000000e+00, v6;
	v6 =	vld [tilespmem:s29+$0xFFFFFFF0];
	[tilespmem:s29+$0x70] =	vst v7  }
0xc5: {  	[tilespmem:s29+$0xFFFFFF90] =	vst v1;
	v1 =	vmul.f32 $8.000000000e+00, v2;
	v2 =	vld [tilespmem:s29+$0x0]  }
0xc6: {  	[tilespmem:s29+$0xFFFFFFA0] =	vst v4;
	v3 =	vmul.f32 $8.000000000e+00, v3;
	v4 =	vld [tilespmem:s29+$0x10]  }
0xc7: {  	[tilespmem:s29+$0xFFFFFFB0] =	vst v1;
	v1 =	vmul.f32 $8.000000000e+00, v0;
	v7 =	vld [tilespmem:s29+$0x20]  }
.Ltmp3:
0xc8: {  	[tilespmem:s29+$0xFFFFFFC0] =	vst v3;
	v3 =	vmul.f32 $8.000000000e+00, v5;
	v0 =	vld [tilespmem:s29+$0x30];
	(pc) =	sbr.rel @p0 .LBB2_9-.Ltmp3, $4  }
0xc9: {  	[tilespmem:s29+$0xFFFFFFD0] =	vst v1;
	v5 =	vmul.f32 $8.000000000e+00, v6;
	v1 =	vld [tilespmem:s29+$0x40]  }
0xca: {  	[tilespmem:s29+$0xFFFFFFE0] =	vst v3;
	v6 =	vmul.f32 $8.000000000e+00, v2;
	v2 =	vld [tilespmem:s29+$0x50]  }
0xcb: {  	[tilespmem:s29+$0xFFFFFFF0] =	vst v5;
	v5 =	vmul.f32 $8.000000000e+00, v4;
	v3 =	vld [tilespmem:s29+$0x60]  }
0xcc: {  	s29 =	sadd.s32 $0x100, s29;
	v4 =	vld [tilespmem:s25+$0xFFFFFF80];
	[tilespmem:s25+$0x0] =	vst v6;
	v6 =	vmul.f32 $8.000000000e+00, v7  }
0xcd: {  	[tilespmem:s25+$0x10] =	vst v5;
	v0 =	vmul.f32 $8.000000000e+00, v0  }
0xce: {  	s26 =	smul.u32 $0x190, s26;
	s24 =	sadd.s32 $0x1, s24;
	[tilespmem:s25+$0x20] =	vst v6;
	v1 =	vmul.f32 $8.000000000e+00, v1  }
0xcf: {  	p0 =	sne.s32 s24, $0x10;
	[tilespmem:s25+$0x30] =	vst v0;
	v61 =	vmul.f32 $8.000000000e+00, v2  }
.Ltmp4:
0xd0: {  	s26 =	sadd.s32 s4, s26;
	[tilespmem:s25+$0x40] =	vst v1;
	v62 =	vmul.f32 $8.000000000e+00, v3;
	(pc) =	sbr.rel @p0 .LBB2_2-.Ltmp4, $4  }
0xd1: {  	s26 =	sshll.u32 s26, $0x3;
	v63 =	vmul.f32 $8.000000000e+00, v4;
	[tilespmem:s25+$0x50] =	vst v61  }
0xd2: {  	s26 =	sand.u32 $0x1FFFFF80, s26;
	[tilespmem:s25+$0x60] =	vst v62  }
0xd3: {  	s31 =	sadd.s32 s2, s26;
	[tilespmem:s25+$0xFFFFFF80] =	vst v63  }
0xd4: {  	[hbm4b:s31+s3] =	stream.linear.scatter [tilespmem:s15], [sflag:$0x8], $0x6400, $0x38;
	[tilespmem:$0x1F400] =	vst v63  }
0xd5: {  	s23 =	sadd.s32 $0x1, s23  }
0xd6: {  	_ =	swait.ge [sflag:s21], $0x6400;
	p0 =	sne.s32 s23, s8  }
.Ltmp5:
0xd7: {  	[sflag:s21] =	ssyncset.done $0x0;
	(pc) =	sbr.rel @p0 .LBB2_1-.Ltmp5, $4  }
0xd8: {  	[sflag:s21] =	ssyncadd.s32 $0xFFFF9C00  }
0xd9: {  	_ =	swait.ge [sflag:s22], $0x6400  }
0xda: {  	[sflag:s22] =	ssyncset.done $0x0  }
0xdb: {  	[sflag:s22] =	ssyncadd.s32 $0xFFFF9C00  }
0xdc: {  	_ =	sfence.sel $0x180000  }
0xdd: {  	[bflag:$0x0] =	sbarrier.arrive $0xFFFF  }
0xde: {  	p0 =	sne.s32 s0, $0x0;
	_ =	strace $0x90000047  }
0xdf: {  	s0 =	sadd.s32 @!p0 $0x100000, s1;
	[bflag:$0x2] =	sbarrier.arrive $0xFFFF  }
0xe0: {  	[sflag:s0] =	ssyncadd.tile.s32 @!p0 $0x1;
	_ =	shalt  }
.Lfunc_end2:
_tile_overlayer_lowered:
.L_overlay_start_2:
0xe1: {  	(tag) =	ssettag $0x2  }
0xe2: {  	s0 =	rddreg [dreg:$0x0];
	s2 =	stileid.u32  }
0xe3: {  	s1 =	rddreg [dreg:$0x1];
	p0 =	sne.s32 s2, $0x0  }
0xe4: {  	s3 =	rddreg [dreg:$0x2];
	[bflag:$0x3] =	sbarrier.arrive $0xFFFF;
	s2 =	simm.s32 @!p0 $0x1C09  }
0xe5: {  	[timem:s3], [sflag:s2] =	dma.local @!p0 [hbm:s0], s1  }
0xe6: {  	s0 =	simm.s32 @!p0 $0x9  }
0xe7: {  	_ =	swait.ge @!p0 [sflag:s0], s1  }
0xe8: {  	s1 =	ssub.s32 @!p0 $0x0, s1;
	[sflag:s0] =	ssyncset.done @!p0 $0x0  }
0xe9: {  	[sflag:s0] =	ssyncadd.s32 @!p0 s1  }
0xea: {  	[bflag:$0x3] =	sbarrier.arrive $0xFFFF  }
0xeb: {  	_ =	shalt  }

// kernel: sparse-core-data-format-call.cloned.1.call-start
scs
called_computation_lowered:
.L_overlay_start_0:
0x0: {  	s2 =	sld [smem:$0x3FD9]  }
0x1: {  	s3 =	sld [smem:$0x3FFE];
	_ =	sdelay $0x1  }
0x2: {  	s1 =	srdreg.scid  }
0x3: {  	s0 =	sand.u32 $0x1, s1  }
0x4: {  	s18 =	sshll.u32 s0, $0xA;
	s2 =	sadd.s32 s3, s2  }
0x5: {  	s2 =	sadd.s32 s2, s18  }
0x6: {  	[smem:$0x3FC6] =	sst s2  }
0x7: {  	_ = 	snop  }
0x8: {  	s2 =	sld [smem:$0x3FD0];
	(tm) =	ssettm $0x1  }
0x9: {  	s19 =	sld [smem:$0x3FFB];
	_ =	sdelay $0x3  }
0xa: {  	_ =	strace s19  }
0xb: {  	s3 =	sld [smem:$0x3FFC];
	_ =	sdelay $0x3  }
0xc: {  	_ =	strace s3  }
0xd: {  	s3 =	sld [smem:$0x3FFD];
	_ =	sdelay $0x3  }
0xe: {  	_ =	strace s3  }
0xf: {  	_ =	strace $0x8FFFFFFF  }
0x10: {  	s20 =	sld [smem:$0x3FDB];
	_ =	sdelay $0x1  }
0x11: {  	s4 =	simm.s32 $_scs_section_size  }
0x12: {  	s5 =	simm.s32 $_size__tile_overlayer_lowered;
	s6 =	simm.s32 $_tile_overlayer_lowered  }
0x13: {  	s23 =	simm.s32 $0x1BFF;
	s22 =	sshll.u32 s6, $0x1;
	s3 =	sadd.s32 s4, s20  }
0x14: {  	s7 =	simm.s32 $0x0;
	s21 =	sshll.u32 s5, $0x1;
	s5 =	sadd.s32 s22, s3  }
0x15: {  	[timem:s7], [sflag:s23] =	dma.local [hbm:s5], s21  }
0x16: {  	_ =	swait.ge [sflag:s23], s21  }
0x17: {  	s4 =	ssub.s32 $0x0, s21;
	[sflag:s23] =	ssyncset.done $0x0  }
0x18: {  	[sflag:s23] =	ssyncadd.s32 s4;
	_ =	sdelay $0x1  }
0x19: {  	s24 =	simm.s32 $0x1B8B  }
0x1a: {  	_ =	swait.ge [sflag:s24], $0x1  }
0x1b: {  	[sflag:s24] =	ssyncset.done $0x0  }
0x1c: {  	s26 =	simm.s32 $0x1B8E;
	s25 =	sld [smem:$0x3FFE];
	[sflag:s24] =	ssyncadd.s32 $0xFFFFFFFF  }
0x1d: {  	s27 =	simm.s32 $execute0_lowered;
	[smem:$0x3FD2] =	sst s26  }
0x1e: {  	s5 =	sshll.u32 s27, $0x1;
	_ =	strace $0x80000049;
	[dreg:$0x1] =	wrdreg $0xFFFFFFFF  }
0x1f: {  	s28 =	simm.s32 $_size_execute0_lowered;
	s3 =	sadd.s32 s3, s5;
	[dreg:$0x0] =	wrdreg $0x0  }
0x20: {  	s5 =	sshll.u32 s28, $0x1;
	[dreg:$0x2] =	wrdreg s3  }
0x21: {  	[dreg:$0x3] =	wrdreg s5  }
0x22: {  	[dreg:$0x4] =	wrdreg $0xC0  }
0x23: {  	_ =	task [dreg:s7], $0x5FFFF  }
0x24: {  	[dreg:$0x1] =	wrdreg $0xFFFFFFFF  }
0x25: {  	[dreg:$0x0] =	wrdreg $0x60  }
0x26: {  	[dreg:$0x2] =	wrdreg s25  }
0x27: {  	[dreg:$0x3] =	wrdreg s2  }
0x28: {  	[dreg:$0x4] =	wrdreg $0x9  }
0x29: {  	_ =	task.clear_ibuf [dreg:s7], $0x5FFFF;
	_ =	strace $0x90000049  }
0x2a: {  	s29 =	simm.s32 $0x9;
	_ =	strace $0x8000004B  }
0x2b: {  	_ =	swait.ge [sflag:s29], $0x1  }
0x2c: {  	[sflag:s29] =	ssyncadd.s32 $0xFFFFFFFF  }
0x2d: {  	_ =	strace $0x9000004B  }
0x2e: {  	_ =	sfence  }
0x2f: {  	s30 =	sld [smem:$0x0];
	_ =	sdelay $0x2  }
0x30: {  	s31 =	sshll.u32 s1, $0xD;
	s1 =	sshrl.u32 s1, $0x2  }
0x31: {  	s3 =	sand.u32 $0x4000, s31;
	s1 =	sadd.s32 s1, s30  }
0x32: {  	s0 =	sor.u32 s3, s0;
	s1 =	sshll.u32 s1, $0x11  }
0x33: {  	s0 =	sor.u32 s1, s0  }
0x34: {  	s0 =	sadd.s32 $0x8F2B, s0  }
0x35: {  	[sflag:s0] =	ssyncadd.remote.s32 $0x1  }
0x36: {  	_ =	sfence.sel $0xFFFF  }
0x37: {  	[dreg:$0x0] =	wrdreg $0xFFFFFFFF;
	(pc) =	sbr.abs _section_cstart, $3  }
0x38: {  	[dreg:$0x1] =	wrdreg $0xFFFFFFFF  }
0x39: {  	_ =	task.clear_ibuf [dreg:s7], $0x2FFFF;
	_ =	strace $0x9FFFFFFF  }
0x3a: {  	(tm) =	ssettm $0x7FFFFFFF  }
0x3b: {  	_ =	shalt  }
tec
execute0_lowered:
.L_overlay_start_1:
0x0: {  	(tag) =	ssettag $0x1  }
0x1: {  	s0 =	srdreg.scid  }
0x2: {  	s1 =	sshll.u32 s0, $0x4  }
0x3: {  	s4 =	rddreg [dreg:$0x0];
	s0 =	stileid.u32;
	s1 =	sand.u32 $0x10, s1  }
0x4: {  	s2 =	rddreg [dreg:$0x1];
	s7 =	simm.s32 $0x1;
	s1 =	sor.u32 s0, s1  }
0x5: {  	s8 =	simm.s32 $0x2;
	s11 =	simm.s32 $0x0;
	s3 =	sshll.u32 s1, $0x7  }
0x6: {  	s10 =	simm.s32 $0x0;
	s4 =	sadd.s32 $0x800, s4;
	s6 =	ssub.s32 $0xC8000, s3  }
.Ltmp0:
0x7: {  	s1 =	rddreg [dreg:$0x2];
	s5 =	sand.u32 $0xF80, s6;
	(pc) =	sbr.rel .LBB1_1-.Ltmp0, $4  }
0x8: {  	_ =	strace $0x8000004A;
	s9 =	smov.u32 s3;
	p0 =	sne.s32 s5, $0x0  }
0x9: {  	s6 =	sshrl.u32 s6, $0xC;
	s5 =	simm.s32 $0x1;
	s7 =	simm.s32 @!p0 $0x0  }
0xa: {  	[sflag:s5] =	ssyncpa.u1 $0x0;
	p0 =	por $0x0, $0x0;
	s6 =	sadd.s32 s7, s6  }
0xb: {  	[sflag:s8] =	ssyncpa.u1 $0x0;
	s8 =	simm.s32 $0x640000;
	s7 =	sadd.s32 $0x1, s6  }
.LBB1_4:
0xc: {  	s14 =	sshll.u32 s11, $0x3  }
0xd: {  	s30 =	sand.u32 $0x7F, s11;
	s15 =	sand.u32 $0xFFFFFC00, s14  }
0xe: {  	s11 =	sor.u32 s30, s15  }
0xf: {  	s15 =	smulhi.u32 $0x51EB851F, s11  }
0x10: {  	s14 =	smulhi.u32 $0x51EB851F, s14  }
0x11: {  	s15 =	sshrl.u32 s15, $0x12  }
0x12: {  	s14 =	sshrl.u32 s14, $0x12;
	s15 =	smul.u32 $0xC8000, s15  }
0x13: {  	s14 =	sand.u32 $0x3F, s14  }
0x14: {  	s14 =	smul.u32 $0x19000, s14;
	s11 =	ssub.s32 s11, s15  }
0x15: {  	[tilespmem:s13+$0x810 ss:$0x81] =	vst.msk $0xffff, v2;
	s15 =	sand.u32 $0x7, s11  }
0x16: {  	[tilespmem:s13+$0x1020 ss:$0x81] =	vst.msk $0xffff, v0;
	s14 =	sadd.s32 s2, s14;
	s11 =	sshrl.u32 s11, $0x3;
	s15 =	sshll.u32 s15, $0x12  }
0x17: {  	[tilespmem:s13+$0x0 ss:$0x81] =	vst.msk $0xffff, v1;
	s11 =	sadd.s32 s11, s14;
	s31 =	sor.u32 $0x400, s15  }
0x18: {  	[hbm4b:s11+s31] =	stream.strided.scatter [tilespmem:s12], [sflag:$0x2], $0x2000, s8, s31, $0x20;
	[tilespmem:$0x8080] =	vst v63  }
.LBB1_5:
0x19: {  	s13 =	sadd.s32 $0x1000, s9  }
0x1a: {  	p2 =	sgt.s32 s13, $0xC7FFF  }
0x1b: {  	s13 =	smov.u32 @p2 s3;
	p2 =	sne.s32 s10, s7  }
.Ltmp1:
0x1c: {  	p1 =	slt.u32 s10, $0x2;
	(pc) =	sbr.rel @!p2 .LBB1_6-.Ltmp1, $4  }
0x1d: {  	s12 =	simm.s32 @!p1 $0x2  }
0x1e: {  	s14 =	sadd.s32 $0x1, s10;
	_ =	swait.ge @!p1 [sflag:s12], $0x2000  }
0x1f: {  	s11 =	smov.u32 s9;
	p0 =	por !p0, !p0;
	[sflag:s12] =	ssyncset.done @!p1 $0x0  }
0x20: {  	s10 =	smov.u32 s14;
	s9 =	smov.u32 s13;
	[sflag:s12] =	ssyncadd.s32 @!p1 $0xFFFFE000  }
.LBB1_1:
0x21: {  	p1 =	sge.u32 s10, s6  }
0x22: {  	s12 =	sand.u32 @!p1 $0x1FFFFFF, s9  }
0x23: {  	s13 =	smulhi.u32 @!p1 $0x147AE15, s12;
	_ =	sdelay $0x1  }
0x24: {  	s13 =	sshrl.u32 @!p1 s13, $0xC  }
0x25: {  	s13 =	smul.u32 @!p1 $0xC8000, s13;
	_ =	sdelay $0x1  }
0x26: {  	s31 =	sadd.s32 $0xFFFFFFFF, s10;
	s14 =	sxor.u32 @!p1 $0xFFFFFFFF, s10;
	s12 =	ssub.s32 @!p1 s12, s13  }
0x27: {  	s15 =	simm.s32 @!p1 $0x80;
	s14 =	sshll.u32 @!p1 s14, $0xD;
	s12 =	sshll.u32 @!p1 s12, $0x4  }
0x28: {  	s13 =	sand.u32 @!p1 $0x2000, s14;
	s14 =	simm.s32 @!p1 $0x40;
	s12 =	sadd.s32 @!p1 s4, s12  }
0x29: {  	[tilespmem:s13], [sflag:$0x1] =	stream.strided.gather @!p1 [hbm4b:s12+s14], $0x2000, s15, s14, $0x38;
	[tilespmem:$0x8080] =	vst v63  }
0x2a: {  	p1 =	sge.u32 s31, s6  }
.Ltmp2:
0x2b: {  	_ = 	snop;
	(pc) =	sbr.rel @p1 .LBB1_5-.Ltmp2, $1  }
0x2c: {  	_ =	sdelay $0x3  }
0x2d: {  	s12 =	simm.s32 $0x1  }
0x2e: {  	_ =	swait.ge [sflag:s5], $0x2000;
	s12 =	simm.s32 @!p0 $0x0  }
0x2f: {  	[sflag:s5] =	ssyncset.done $0x0;
	s13 =	sshll.u32 s12, $0xD  }
0x30: {  	[sflag:s5] =	ssyncadd.s32 $0xFFFFE000;
	s16 =	sor.u32 $0x20, s13  }
0x31: {  	s12 =	smul.u32 $0x8100, s12;
	v3 =	vld [tilespmem:s16+$0x10]  }
0x32: {  	s30 =	sand.u32 $0x1, s10;
	v2 =	vld [tilespmem:s16+$0xFFFFFFF0]  }
0x33: {  	s13 =	smul.u32 $0x8100, s30;
	s12 =	sshrl.u32 s12, $0x2;
	v0 =	vld [tilespmem:s16+$0x0]  }
0x34: {  	v1 =	vld [tilespmem:s16+$0xFFFFFFE0];
	s14 =	sor.u32 $0x4000, s12  }
0x35: {  	s31 =	sshrl.u32 s13, $0x2;
	s13 =	sadd.s32 $0x0, s14  }
0x36: {  	s15 =	simm.s32 $0x4;
	s16 =	sadd.s32 $0x40, s16;
	s12 =	sor.u32 $0x4000, s31;
	[tilespmem:s13+$0x1830 ss:$0x81] =	vst.msk $0xffff, v3  }
.LBB1_3:
0x37: {  	v3 =	vld [tilespmem:s16+$0x10];
	p1 =	sne.s32 s15, $0x1FC;
	[tilespmem:s13+$0x810 ss:$0x81] =	vst.msk $0xffff, v2;
	s17 =	smov.u32 s15;
	s15 =	sadd.s32 $0x4, s15  }
.Ltmp3:
0x38: {  	v2 =	vld [tilespmem:s16+$0xFFFFFFF0];
	[tilespmem:s13+$0x1020 ss:$0x81] =	vst.msk $0xffff, v0;
	(pc) =	sbr.rel @p1 .LBB1_3-.Ltmp3, $4  }
0x39: {  	v0 =	vld [tilespmem:s16+$0x0];
	[tilespmem:s13+$0x0 ss:$0x81] =	vst.msk $0xffff, v1  }
0x3a: {  	s13 =	sshra.s32 s17, $0x2;
	v1 =	vld [tilespmem:s16+$0xFFFFFFE0]  }
0x3b: {  	s13 =	sadd.s32 s13, s14  }
0x3c: {  	s16 =	sadd.s32 $0x40, s16;
	[tilespmem:s13+$0x1830 ss:$0x81] =	vst.msk $0xffff, v3  }
.Ltmp4:
0x3d: {  	_ = 	snop;
	(pc) =	sbr.rel .LBB1_4-.Ltmp4, $1  }
0x3e: {  	_ =	sdelay $0x3  }
.LBB1_6:
0x3f: {  	_ =	sfence.sel $0x180000  }
0x40: {  	s2 =	simm.s32 $0x1;
	[bflag:$0x0] =	sbarrier.arrive $0xFFFF  }
0x41: {  	s31 =	simm.s32 $0x2;
	[sflag:s2] =	ssyncpa.u1 $0x1  }
0x42: {  	[sflag:s31] =	ssyncpa.u1 $0x1  }
0x43: {  	p0 =	sne.s32 s0, $0x0;
	_ =	strace $0x9000004A  }
0x44: {  	s0 =	sadd.s32 @!p0 $0x100000, s1;
	[bflag:$0x2] =	sbarrier.arrive $0xFFFF  }
0x45: {  	[sflag:s0] =	ssyncadd.tile.s32 @!p0 $0x1;
	_ =	shalt  }
.Lfunc_end1:
_tile_overlayer_lowered:
.L_overlay_start_2:
0x46: {  	(tag) =	ssettag $0x2  }
0x47: {  	s0 =	rddreg [dreg:$0x0];
	s2 =	stileid.u32  }
0x48: {  	s1 =	rddreg [dreg:$0x1];
	p0 =	sne.s32 s2, $0x0  }
0x49: {  	s3 =	rddreg [dreg:$0x2];
	[bflag:$0x3] =	sbarrier.arrive $0xFFFF;
	s2 =	simm.s32 @!p0 $0x1C01  }
0x4a: {  	[timem:s3], [sflag:s2] =	dma.local @!p0 [hbm:s0], s1  }
0x4b: {  	s0 =	simm.s32 @!p0 $0x1  }
0x4c: {  	_ =	swait.ge @!p0 [sflag:s0], s1  }
0x4d: {  	s1 =	ssub.s32 @!p0 $0x0, s1;
	[sflag:s0] =	ssyncset.done @!p0 $0x0  }
0x4e: {  	[sflag:s0] =	ssyncadd.s32 @!p0 s1  }
0x4f: {  	[bflag:$0x3] =	sbarrier.arrive $0xFFFF  }
0x50: {  	_ =	shalt  }

</sc_bundles>
